<compile_context>
chip_gen: v7x
topology: tpu7x:2x2x1
jax: 0.10.2.dev20260603
libtpu: 0.0.44.dev20260713+nightly
codegen_flags: <defaults>
</compile_context>

<pallas_src>
import functools

import jax
import jax.numpy as jnp
from jax import lax
from jax.experimental import pallas as pl
from jax.experimental.pallas import tpu as pltpu
from jax.experimental.pallas import tpu_sc as plsc

D = 32
NW = 32
CHUNK = 128


G = 10


@functools.partial(jax.jit, static_argnums=(2, 3))
def _emb_lookup(ix, weight, per_w, nchunk):
    mesh = plsc.VectorSubcoreMesh(core_axis_name="c", subcore_axis_name="s")
    n = NW * per_w
    ngroups = nchunk // G
    npairs = ngroups // 2
    gc = G * CHUNK

    @functools.partial(
        pl.kernel,
        mesh=mesh,
        out_type=jax.ShapeDtypeStruct((n, D), jnp.float32),
        scratch_types=[
            pltpu.VMEM((nchunk, CHUNK), jnp.int32),
            pltpu.VMEM((gc, D), jnp.float32),
            pltpu.VMEM((gc, D), jnp.float32),
            pltpu.SemaphoreType.DMA,
            pltpu.SemaphoreType.DMA,
            pltpu.SemaphoreType.DMA,
            pltpu.SemaphoreType.DMA,
        ],
        compiler_params=pltpu.CompilerParams(use_tc_tiling_on_sc=False),
    )
    def emb_kernel(ix_hbm, w_flat, out_flat, idx_v, buf0, buf1, gs0, gs1, os0, os1):
        w_hbm = w_flat
        out_hbm = out_flat
        wid = lax.axis_index("s") * 2 + lax.axis_index("c")
        base = wid * per_w
        pltpu.sync_copy(ix_hbm.at[wid], idx_v)

        def fire(goff, buf, gsem):
            for b in range(G):
                pltpu.async_copy(
                    w_hbm.at[idx_v.at[goff * G + b]],
                    buf.at[pl.ds(b * CHUNK, CHUNK)],
                    gsem,
                )

        def drain_gathers(buf, gsem):
            pltpu.make_async_copy(w_hbm.at[pl.ds(0, gc)], buf, gsem).wait()

        def start_out(goff, buf, osem):
            pltpu.async_copy(buf, out_hbm.at[pl.ds(base + goff * gc, gc)], osem)

        def wait_out(buf, osem):
            pltpu.make_async_copy(buf, out_hbm.at[pl.ds(base, gc)], osem).wait()

        def body(p, carry):
            for buf, gsem, osem, off in ((buf0, gs0, os0, 0), (buf1, gs1, os1, 1)):
                goff = 2 * p + off

                @pl.when(p > 0)
                def _():
                    wait_out(buf, osem)

                fire(goff, buf, gsem)
            for buf, gsem, osem, off in ((buf0, gs0, os0, 0), (buf1, gs1, os1, 1)):
                goff = 2 * p + off
                drain_gathers(buf, gsem)
                start_out(goff, buf, osem)
            return carry

        lax.fori_loop(0, npairs, body, 0)
        wait_out(buf0, os0)
        wait_out(buf1, os1)

    return emb_kernel(ix, weight)


def kernel(IX, weight):
    b, t = IX.shape
    n = b * t
    per_w = n // NW
    nchunk = per_w // CHUNK
    ix = IX.reshape(NW, nchunk, CHUNK).astype(jnp.int32)
    out = _emb_lookup(ix, weight, per_w, nchunk)
    return out.reshape(b, t, D)

# --- scband reference (transcript-rebuilt; emitter-appended) ---
"""Pipeline reference for scband-embedding-68461778698715 (READ-ONLY COPY).

The authoritative reference and input builder live on the scoring server;
editing this copy changes nothing except your own understanding.
"""

import jax, jax.numpy as jnp
import numpy as np

NUM_EMBEDDINGS = 1000000
EMBEDDING_DIM = 32

def setup_inputs(seed: int = 0) -> dict:
    key = jax.random.key(seed)
    k_ix, k_w = jax.random.split(key)
    IX = jax.random.randint(k_ix, (16384, 20), 0, NUM_EMBEDDINGS, dtype=jnp.int64 if jax.config.jax_enable_x64 else jnp.int32)
    weight = jax.random.normal(k_w, (NUM_EMBEDDINGS, EMBEDDING_DIM), dtype=jnp.float32)
    return {"IX": IX, "weight": weight}

def reference(IX, weight):
    # Faithful translation of Embedding.__call__: out = weight[IX]
    out = jnp.take(weight, IX, axis=0)
    return out

if __name__ == "__main__":
    import jax
    _d = setup_inputs()
    print(jax.jit(kernel)(*tuple(_d.values())))

</pallas_src>

<mosaic_0001>
#map = affine_map<(d0, d1) -> (0, 0, 0)>
#map1 = affine_map<(d0, d1) -> (0, 0)>
module attributes {stable_mosaic.version = 14 : i64} {
  func.func @emb_kernel(%arg0: i32, %arg1: i32, %arg2: memref<32x80x128xi32, #tpu.memory_space<hbm>>, %arg3: memref<1000000x32xf32, #tpu.memory_space<hbm>>, %arg4: memref<327680x32xf32, #tpu.memory_space<hbm>>, %arg5: memref<80x128xi32, #tpu.memory_space<vmem>>, %arg6: memref<1280x32xf32, #tpu.memory_space<vmem>>, %arg7: memref<1280x32xf32, #tpu.memory_space<vmem>>, %arg8: memref<!tpu.dma_semaphore, #tpu.memory_space<semaphore_mem>>, %arg9: memref<!tpu.dma_semaphore, #tpu.memory_space<semaphore_mem>>, %arg10: memref<!tpu.dma_semaphore, #tpu.memory_space<semaphore_mem>>, %arg11: memref<!tpu.dma_semaphore, #tpu.memory_space<semaphore_mem>>) attributes {dimension_semantics = [#tpu.dimension_semantics<core_parallel>, #tpu.dimension_semantics<subcore_parallel>], iteration_bounds = array<i64: 2, 16>, scalar_prefetch = 0 : i64, scratch_operands = 7 : i64, tpu.core_type = #tpu.core_type<sc_vector_subcore>, window_params = [{transform_indices = #map}, {transform_indices = #map1}, {transform_indices = #map1}]} {
    %mul3A = arith.constant 2 : i32
    %mul3A_0 = arith.muli %arg1, %mul3A : i32
    %add3A = arith.addi %mul3A_0, %arg0 : i32
    %mul3A_1 = arith.constant 10240 : i32
    %mul3A_2 = arith.muli %add3A, %mul3A_1 : i32
    "tpu.region"() ({
      %run_scoped3A = tpu.sem_alloc : memref<!tpu.dma_semaphore, #tpu.memory_space<semaphore_mem>>
      %dma_start3A = arith.constant 0 : i32
      %dma_start3A_15 = arith.constant 0 : i32
      %dma_start3A_16 = tpu.memref_slice %arg2[%add3A, %dma_start3A, %dma_start3A_15] : memref<32x80x128xi32, #tpu.memory_space<hbm>> -> memref<1x80x128xi32, #tpu.memory_space<hbm>>
      %dma_start3A_17 = tpu.memref_squeeze %dma_start3A_16 : memref<1x80x128xi32, #tpu.memory_space<hbm>> -> memref<80x128xi32, #tpu.memory_space<hbm>>
      %dma_start3A_18 = arith.constant 0 : i32
      %dma_start3A_19 = arith.constant 0 : i32
      %dma_start3A_20 = tpu.memref_slice %arg2[%add3A, %dma_start3A_18, %dma_start3A_19] : memref<32x80x128xi32, #tpu.memory_space<hbm>> -> memref<1x80x128xi32, #tpu.memory_space<hbm>>
      %dma_start3A_21 = tpu.memref_squeeze %dma_start3A_20 : memref<1x80x128xi32, #tpu.memory_space<hbm>> -> memref<80x128xi32, #tpu.memory_space<hbm>>
      tpu.enqueue_dma source(%dma_start3A_21 : memref<80x128xi32, #tpu.memory_space<hbm>>) target(%arg5 : memref<80x128xi32, #tpu.memory_space<vmem>>) target_semaphore(%run_scoped3A : memref<!tpu.dma_semaphore, #tpu.memory_space<semaphore_mem>>)
      %dma_wait3A_22 = arith.constant 0 : i32
      %dma_wait3A_23 = arith.constant 0 : i32
      %dma_wait3A_24 = tpu.memref_slice %arg2[%add3A, %dma_wait3A_22, %dma_wait3A_23] : memref<32x80x128xi32, #tpu.memory_space<hbm>> -> memref<1x80x128xi32, #tpu.memory_space<hbm>>
      %dma_wait3A_25 = tpu.memref_squeeze %dma_wait3A_24 : memref<1x80x128xi32, #tpu.memory_space<hbm>> -> memref<80x128xi32, #tpu.memory_space<hbm>>
      %dma_wait3A_26 = arith.constant 0 : i32
      %dma_wait3A_27 = arith.constant 0 : i32
      %dma_wait3A_28 = tpu.memref_slice %arg2[%add3A, %dma_wait3A_26, %dma_wait3A_27] : memref<32x80x128xi32, #tpu.memory_space<hbm>> -> memref<1x80x128xi32, #tpu.memory_space<hbm>>
      %dma_wait3A_29 = tpu.memref_squeeze %dma_wait3A_28 : memref<1x80x128xi32, #tpu.memory_space<hbm>> -> memref<80x128xi32, #tpu.memory_space<hbm>>
      tpu.wait_dma2 semaphore(%run_scoped3A : memref<!tpu.dma_semaphore, #tpu.memory_space<semaphore_mem>>) src(%dma_wait3A_29 : memref<80x128xi32, #tpu.memory_space<hbm>>) dst(%arg5 : memref<80x128xi32, #tpu.memory_space<vmem>>)
      tpu.yield
    }) : () -> ()
    %scan3A = arith.constant 0 : i32
    %scan3A_3 = arith.constant 0 : i32
    %scan3A_4 = arith.constant 4 : i32
    %scan3A_5 = arith.addi %scan3A_3, %scan3A_4 : i32
    %scan3A_6 = arith.constant 1 : i32
    scf.for %scan3A_15 = %scan3A_3 to %scan3A_5 step %scan3A_6  : i32 {
      %mul3A_16 = arith.constant 2 : i32
      %mul3A_17 = arith.muli %mul3A_16, %scan3A_15 : i32
      %add3A_18 = arith.constant 0 : i32
      %add3A_19 = arith.addi %mul3A_17, %add3A_18 : i32
      %gt3A = arith.constant 0 : i32
      %gt3A_20 = arith.cmpi sgt, %scan3A_15, %gt3A : i32
      %convert_element_type3A = arith.extui %gt3A_20 : i1 to i32
      %cond3A = arith.constant 0 : i32
      %cond3A_21 = arith.cmpi ne, %convert_element_type3A, %cond3A : i32
      scf.if %cond3A_21 {
        %dma_wait3A_324 = arith.constant 0 : i32
        %dma_wait3A_325 = tpu.memref_slice %arg4[%mul3A_2, %dma_wait3A_324] : memref<327680x32xf32, #tpu.memory_space<hbm>> -> memref<1280x32xf32, #tpu.memory_space<hbm>>
        %dma_wait3A_326 = arith.constant 0 : i32
        %dma_wait3A_327 = tpu.memref_slice %arg4[%mul3A_2, %dma_wait3A_326] : memref<327680x32xf32, #tpu.memory_space<hbm>> -> memref<1280x32xf32, #tpu.memory_space<hbm>>
        tpu.wait_dma2 semaphore(%arg10 : memref<!tpu.dma_semaphore, #tpu.memory_space<semaphore_mem>>) src(%arg6 : memref<1280x32xf32, #tpu.memory_space<vmem>>) dst(%dma_wait3A_327 : memref<1280x32xf32, #tpu.memory_space<hbm>>)
      } else {
      }
      %mul3A_22 = arith.constant 10 : i32
      %mul3A_23 = arith.muli %add3A_19, %mul3A_22 : i32
      %add3A_24 = arith.constant 0 : i32
      %add3A_25 = arith.addi %mul3A_23, %add3A_24 : i32
      %dma_start3A = arith.constant 0 : i32
      %dma_start3A_26 = arith.constant 0 : i32
      %dma_start3A_27 = tpu.memref_slice %arg6[%dma_start3A, %dma_start3A_26] : memref<1280x32xf32, #tpu.memory_space<vmem>> -> memref<128x32xf32, #tpu.memory_space<vmem>>
      %dma_start3A_28 = arith.constant 0 : i32
      %dma_start3A_29 = tpu.memref_slice %arg5[%add3A_25, %dma_start3A_28] : memref<80x128xi32, #tpu.memory_space<vmem>> -> memref<1x128xi32, #tpu.memory_space<vmem>>
      %dma_start3A_30 = tpu.memref_squeeze %dma_start3A_29 : memref<1x128xi32, #tpu.memory_space<vmem>> -> memref<128xi32, #tpu.memory_space<vmem>>
      %dma_start3A_31 = arith.constant 0 : i32
      %dma_start3A_32 = arith.constant 0 : i32
      %dma_start3A_33 = tpu.memref_slice %arg3[%dma_start3A_31, %dma_start3A_32] : memref<1000000x32xf32, #tpu.memory_space<hbm>> -> memref<1000000x32xf32, #tpu.memory_space<hbm>>
      tpu.enqueue_indirect_dma source(%dma_start3A_33 : memref<1000000x32xf32, #tpu.memory_space<hbm>>) target(%dma_start3A_27 : memref<128x32xf32, #tpu.memory_space<vmem>>) offsets(%dma_start3A_30 : memref<128xi32, #tpu.memory_space<vmem>>) semaphore(%arg8 : memref<!tpu.dma_semaphore, #tpu.memory_space<semaphore_mem>>)
      %mul3A_34 = arith.constant 10 : i32
      %mul3A_35 = arith.muli %add3A_19, %mul3A_34 : i32
      %add3A_36 = arith.constant 1 : i32
      %add3A_37 = arith.addi %mul3A_35, %add3A_36 : i32
      %dma_start3A_38 = arith.constant 128 : i32
      %dma_start3A_39 = arith.constant 0 : i32
      %dma_start3A_40 = tpu.memref_slice %arg6[%dma_start3A_38, %dma_start3A_39] : memref<1280x32xf32, #tpu.memory_space<vmem>> -> memref<128x32xf32, #tpu.memory_space<vmem>>
      %dma_start3A_41 = arith.constant 0 : i32
      %dma_start3A_42 = tpu.memref_slice %arg5[%add3A_37, %dma_start3A_41] : memref<80x128xi32, #tpu.memory_space<vmem>> -> memref<1x128xi32, #tpu.memory_space<vmem>>
      %dma_start3A_43 = tpu.memref_squeeze %dma_start3A_42 : memref<1x128xi32, #tpu.memory_space<vmem>> -> memref<128xi32, #tpu.memory_space<vmem>>
      %dma_start3A_44 = arith.constant 0 : i32
      %dma_start3A_45 = arith.constant 0 : i32
      %dma_start3A_46 = tpu.memref_slice %arg3[%dma_start3A_44, %dma_start3A_45] : memref<1000000x32xf32, #tpu.memory_space<hbm>> -> memref<1000000x32xf32, #tpu.memory_space<hbm>>
      tpu.enqueue_indirect_dma source(%dma_start3A_46 : memref<1000000x32xf32, #tpu.memory_space<hbm>>) target(%dma_start3A_40 : memref<128x32xf32, #tpu.memory_space<vmem>>) offsets(%dma_start3A_43 : memref<128xi32, #tpu.memory_space<vmem>>) semaphore(%arg8 : memref<!tpu.dma_semaphore, #tpu.memory_space<semaphore_mem>>)
      %mul3A_47 = arith.constant 10 : i32
      %mul3A_48 = arith.muli %add3A_19, %mul3A_47 : i32
      %add3A_49 = arith.constant 2 : i32
      %add3A_50 = arith.addi %mul3A_48, %add3A_49 : i32
      %dma_start3A_51 = arith.constant 256 : i32
      %dma_start3A_52 = arith.constant 0 : i32
      %dma_start3A_53 = tpu.memref_slice %arg6[%dma_start3A_51, %dma_start3A_52] : memref<1280x32xf32, #tpu.memory_space<vmem>> -> memref<128x32xf32, #tpu.memory_space<vmem>>
      %dma_start3A_54 = arith.constant 0 : i32
      %dma_start3A_55 = tpu.memref_slice %arg5[%add3A_50, %dma_start3A_54] : memref<80x128xi32, #tpu.memory_space<vmem>> -> memref<1x128xi32, #tpu.memory_space<vmem>>
      %dma_start3A_56 = tpu.memref_squeeze %dma_start3A_55 : memref<1x128xi32, #tpu.memory_space<vmem>> -> memref<128xi32, #tpu.memory_space<vmem>>
      %dma_start3A_57 = arith.constant 0 : i32
      %dma_start3A_58 = arith.constant 0 : i32
      %dma_start3A_59 = tpu.memref_slice %arg3[%dma_start3A_57, %dma_start3A_58] : memref<1000000x32xf32, #tpu.memory_space<hbm>> -> memref<1000000x32xf32, #tpu.memory_space<hbm>>
      tpu.enqueue_indirect_dma source(%dma_start3A_59 : memref<1000000x32xf32, #tpu.memory_space<hbm>>) target(%dma_start3A_53 : memref<128x32xf32, #tpu.memory_space<vmem>>) offsets(%dma_start3A_56 : memref<128xi32, #tpu.memory_space<vmem>>) semaphore(%arg8 : memref<!tpu.dma_semaphore, #tpu.memory_space<semaphore_mem>>)
      %mul3A_60 = arith.constant 10 : i32
      %mul3A_61 = arith.muli %add3A_19, %mul3A_60 : i32
      %add3A_62 = arith.constant 3 : i32
      %add3A_63 = arith.addi %mul3A_61, %add3A_62 : i32
      %dma_start3A_64 = arith.constant 384 : i32
      %dma_start3A_65 = arith.constant 0 : i32
      %dma_start3A_66 = tpu.memref_slice %arg6[%dma_start3A_64, %dma_start3A_65] : memref<1280x32xf32, #tpu.memory_space<vmem>> -> memref<128x32xf32, #tpu.memory_space<vmem>>
      %dma_start3A_67 = arith.constant 0 : i32
      %dma_start3A_68 = tpu.memref_slice %arg5[%add3A_63, %dma_start3A_67] : memref<80x128xi32, #tpu.memory_space<vmem>> -> memref<1x128xi32, #tpu.memory_space<vmem>>
      %dma_start3A_69 = tpu.memref_squeeze %dma_start3A_68 : memref<1x128xi32, #tpu.memory_space<vmem>> -> memref<128xi32, #tpu.memory_space<vmem>>
      %dma_start3A_70 = arith.constant 0 : i32
      %dma_start3A_71 = arith.constant 0 : i32
      %dma_start3A_72 = tpu.memref_slice %arg3[%dma_start3A_70, %dma_start3A_71] : memref<1000000x32xf32, #tpu.memory_space<hbm>> -> memref<1000000x32xf32, #tpu.memory_space<hbm>>
      tpu.enqueue_indirect_dma source(%dma_start3A_72 : memref<1000000x32xf32, #tpu.memory_space<hbm>>) target(%dma_start3A_66 : memref<128x32xf32, #tpu.memory_space<vmem>>) offsets(%dma_start3A_69 : memref<128xi32, #tpu.memory_space<vmem>>) semaphore(%arg8 : memref<!tpu.dma_semaphore, #tpu.memory_space<semaphore_mem>>)
      %mul3A_73 = arith.constant 10 : i32
      %mul3A_74 = arith.muli %add3A_19, %mul3A_73 : i32
      %add3A_75 = arith.constant 4 : i32
      %add3A_76 = arith.addi %mul3A_74, %add3A_75 : i32
      %dma_start3A_77 = arith.constant 512 : i32
      %dma_start3A_78 = arith.constant 0 : i32
      %dma_start3A_79 = tpu.memref_slice %arg6[%dma_start3A_77, %dma_start3A_78] : memref<1280x32xf32, #tpu.memory_space<vmem>> -> memref<128x32xf32, #tpu.memory_space<vmem>>
      %dma_start3A_80 = arith.constant 0 : i32
      %dma_start3A_81 = tpu.memref_slice %arg5[%add3A_76, %dma_start3A_80] : memref<80x128xi32, #tpu.memory_space<vmem>> -> memref<1x128xi32, #tpu.memory_space<vmem>>
      %dma_start3A_82 = tpu.memref_squeeze %dma_start3A_81 : memref<1x128xi32, #tpu.memory_space<vmem>> -> memref<128xi32, #tpu.memory_space<vmem>>
      %dma_start3A_83 = arith.constant 0 : i32
      %dma_start3A_84 = arith.constant 0 : i32
      %dma_start3A_85 = tpu.memref_slice %arg3[%dma_start3A_83, %dma_start3A_84] : memref<1000000x32xf32, #tpu.memory_space<hbm>> -> memref<1000000x32xf32, #tpu.memory_space<hbm>>
      tpu.enqueue_indirect_dma source(%dma_start3A_85 : memref<1000000x32xf32, #tpu.memory_space<hbm>>) target(%dma_start3A_79 : memref<128x32xf32, #tpu.memory_space<vmem>>) offsets(%dma_start3A_82 : memref<128xi32, #tpu.memory_space<vmem>>) semaphore(%arg8 : memref<!tpu.dma_semaphore, #tpu.memory_space<semaphore_mem>>)
      %mul3A_86 = arith.constant 10 : i32
      %mul3A_87 = arith.muli %add3A_19, %mul3A_86 : i32
      %add3A_88 = arith.constant 5 : i32
      %add3A_89 = arith.addi %mul3A_87, %add3A_88 : i32
      %dma_start3A_90 = arith.constant 640 : i32
      %dma_start3A_91 = arith.constant 0 : i32
      %dma_start3A_92 = tpu.memref_slice %arg6[%dma_start3A_90, %dma_start3A_91] : memref<1280x32xf32, #tpu.memory_space<vmem>> -> memref<128x32xf32, #tpu.memory_space<vmem>>
      %dma_start3A_93 = arith.constant 0 : i32
      %dma_start3A_94 = tpu.memref_slice %arg5[%add3A_89, %dma_start3A_93] : memref<80x128xi32, #tpu.memory_space<vmem>> -> memref<1x128xi32, #tpu.memory_space<vmem>>
      %dma_start3A_95 = tpu.memref_squeeze %dma_start3A_94 : memref<1x128xi32, #tpu.memory_space<vmem>> -> memref<128xi32, #tpu.memory_space<vmem>>
      %dma_start3A_96 = arith.constant 0 : i32
      %dma_start3A_97 = arith.constant 0 : i32
      %dma_start3A_98 = tpu.memref_slice %arg3[%dma_start3A_96, %dma_start3A_97] : memref<1000000x32xf32, #tpu.memory_space<hbm>> -> memref<1000000x32xf32, #tpu.memory_space<hbm>>
      tpu.enqueue_indirect_dma source(%dma_start3A_98 : memref<1000000x32xf32, #tpu.memory_space<hbm>>) target(%dma_start3A_92 : memref<128x32xf32, #tpu.memory_space<vmem>>) offsets(%dma_start3A_95 : memref<128xi32, #tpu.memory_space<vmem>>) semaphore(%arg8 : memref<!tpu.dma_semaphore, #tpu.memory_space<semaphore_mem>>)
      %mul3A_99 = arith.constant 10 : i32
      %mul3A_100 = arith.muli %add3A_19, %mul3A_99 : i32
      %add3A_101 = arith.constant 6 : i32
      %add3A_102 = arith.addi %mul3A_100, %add3A_101 : i32
      %dma_start3A_103 = arith.constant 768 : i32
      %dma_start3A_104 = arith.constant 0 : i32
      %dma_start3A_105 = tpu.memref_slice %arg6[%dma_start3A_103, %dma_start3A_104] : memref<1280x32xf32, #tpu.memory_space<vmem>> -> memref<128x32xf32, #tpu.memory_space<vmem>>
      %dma_start3A_106 = arith.constant 0 : i32
      %dma_start3A_107 = tpu.memref_slice %arg5[%add3A_102, %dma_start3A_106] : memref<80x128xi32, #tpu.memory_space<vmem>> -> memref<1x128xi32, #tpu.memory_space<vmem>>
      %dma_start3A_108 = tpu.memref_squeeze %dma_start3A_107 : memref<1x128xi32, #tpu.memory_space<vmem>> -> memref<128xi32, #tpu.memory_space<vmem>>
      %dma_start3A_109 = arith.constant 0 : i32
      %dma_start3A_110 = arith.constant 0 : i32
      %dma_start3A_111 = tpu.memref_slice %arg3[%dma_start3A_109, %dma_start3A_110] : memref<1000000x32xf32, #tpu.memory_space<hbm>> -> memref<1000000x32xf32, #tpu.memory_space<hbm>>
      tpu.enqueue_indirect_dma source(%dma_start3A_111 : memref<1000000x32xf32, #tpu.memory_space<hbm>>) target(%dma_start3A_105 : memref<128x32xf32, #tpu.memory_space<vmem>>) offsets(%dma_start3A_108 : memref<128xi32, #tpu.memory_space<vmem>>) semaphore(%arg8 : memref<!tpu.dma_semaphore, #tpu.memory_space<semaphore_mem>>)
      %mul3A_112 = arith.constant 10 : i32
      %mul3A_113 = arith.muli %add3A_19, %mul3A_112 : i32
      %add3A_114 = arith.constant 7 : i32
      %add3A_115 = arith.addi %mul3A_113, %add3A_114 : i32
      %dma_start3A_116 = arith.constant 896 : i32
      %dma_start3A_117 = arith.constant 0 : i32
      %dma_start3A_118 = tpu.memref_slice %arg6[%dma_start3A_116, %dma_start3A_117] : memref<1280x32xf32, #tpu.memory_space<vmem>> -> memref<128x32xf32, #tpu.memory_space<vmem>>
      %dma_start3A_119 = arith.constant 0 : i32
      %dma_start3A_120 = tpu.memref_slice %arg5[%add3A_115, %dma_start3A_119] : memref<80x128xi32, #tpu.memory_space<vmem>> -> memref<1x128xi32, #tpu.memory_space<vmem>>
      %dma_start3A_121 = tpu.memref_squeeze %dma_start3A_120 : memref<1x128xi32, #tpu.memory_space<vmem>> -> memref<128xi32, #tpu.memory_space<vmem>>
      %dma_start3A_122 = arith.constant 0 : i32
      %dma_start3A_123 = arith.constant 0 : i32
      %dma_start3A_124 = tpu.memref_slice %arg3[%dma_start3A_122, %dma_start3A_123] : memref<1000000x32xf32, #tpu.memory_space<hbm>> -> memref<1000000x32xf32, #tpu.memory_space<hbm>>
      tpu.enqueue_indirect_dma source(%dma_start3A_124 : memref<1000000x32xf32, #tpu.memory_space<hbm>>) target(%dma_start3A_118 : memref<128x32xf32, #tpu.memory_space<vmem>>) offsets(%dma_start3A_121 : memref<128xi32, #tpu.memory_space<vmem>>) semaphore(%arg8 : memref<!tpu.dma_semaphore, #tpu.memory_space<semaphore_mem>>)
      %mul3A_125 = arith.constant 10 : i32
      %mul3A_126 = arith.muli %add3A_19, %mul3A_125 : i32
      %add3A_127 = arith.constant 8 : i32
      %add3A_128 = arith.addi %mul3A_126, %add3A_127 : i32
      %dma_start3A_129 = arith.constant 1024 : i32
      %dma_start3A_130 = arith.constant 0 : i32
      %dma_start3A_131 = tpu.memref_slice %arg6[%dma_start3A_129, %dma_start3A_130] : memref<1280x32xf32, #tpu.memory_space<vmem>> -> memref<128x32xf32, #tpu.memory_space<vmem>>
      %dma_start3A_132 = arith.constant 0 : i32
      %dma_start3A_133 = tpu.memref_slice %arg5[%add3A_128, %dma_start3A_132] : memref<80x128xi32, #tpu.memory_space<vmem>> -> memref<1x128xi32, #tpu.memory_space<vmem>>
      %dma_start3A_134 = tpu.memref_squeeze %dma_start3A_133 : memref<1x128xi32, #tpu.memory_space<vmem>> -> memref<128xi32, #tpu.memory_space<vmem>>
      %dma_start3A_135 = arith.constant 0 : i32
      %dma_start3A_136 = arith.constant 0 : i32
      %dma_start3A_137 = tpu.memref_slice %arg3[%dma_start3A_135, %dma_start3A_136] : memref<1000000x32xf32, #tpu.memory_space<hbm>> -> memref<1000000x32xf32, #tpu.memory_space<hbm>>
      tpu.enqueue_indirect_dma source(%dma_start3A_137 : memref<1000000x32xf32, #tpu.memory_space<hbm>>) target(%dma_start3A_131 : memref<128x32xf32, #tpu.memory_space<vmem>>) offsets(%dma_start3A_134 : memref<128xi32, #tpu.memory_space<vmem>>) semaphore(%arg8 : memref<!tpu.dma_semaphore, #tpu.memory_space<semaphore_mem>>)
      %mul3A_138 = arith.constant 10 : i32
      %mul3A_139 = arith.muli %add3A_19, %mul3A_138 : i32
      %add3A_140 = arith.constant 9 : i32
      %add3A_141 = arith.addi %mul3A_139, %add3A_140 : i32
      %dma_start3A_142 = arith.constant 1152 : i32
      %dma_start3A_143 = arith.constant 0 : i32
      %dma_start3A_144 = tpu.memref_slice %arg6[%dma_start3A_142, %dma_start3A_143] : memref<1280x32xf32, #tpu.memory_space<vmem>> -> memref<128x32xf32, #tpu.memory_space<vmem>>
      %dma_start3A_145 = arith.constant 0 : i32
      %dma_start3A_146 = tpu.memref_slice %arg5[%add3A_141, %dma_start3A_145] : memref<80x128xi32, #tpu.memory_space<vmem>> -> memref<1x128xi32, #tpu.memory_space<vmem>>
      %dma_start3A_147 = tpu.memref_squeeze %dma_start3A_146 : memref<1x128xi32, #tpu.memory_space<vmem>> -> memref<128xi32, #tpu.memory_space<vmem>>
      %dma_start3A_148 = arith.constant 0 : i32
      %dma_start3A_149 = arith.constant 0 : i32
      %dma_start3A_150 = tpu.memref_slice %arg3[%dma_start3A_148, %dma_start3A_149] : memref<1000000x32xf32, #tpu.memory_space<hbm>> -> memref<1000000x32xf32, #tpu.memory_space<hbm>>
      tpu.enqueue_indirect_dma source(%dma_start3A_150 : memref<1000000x32xf32, #tpu.memory_space<hbm>>) target(%dma_start3A_144 : memref<128x32xf32, #tpu.memory_space<vmem>>) offsets(%dma_start3A_147 : memref<128xi32, #tpu.memory_space<vmem>>) semaphore(%arg8 : memref<!tpu.dma_semaphore, #tpu.memory_space<semaphore_mem>>)
      %mul3A_151 = arith.constant 2 : i32
      %mul3A_152 = arith.muli %mul3A_151, %scan3A_15 : i32
      %add3A_153 = arith.constant 1 : i32
      %add3A_154 = arith.addi %mul3A_152, %add3A_153 : i32
      %gt3A_155 = arith.constant 0 : i32
      %gt3A_156 = arith.cmpi sgt, %scan3A_15, %gt3A_155 : i32
      %convert_element_type3A_157 = arith.extui %gt3A_156 : i1 to i32
      %cond3A_158 = arith.constant 0 : i32
      %cond3A_159 = arith.cmpi ne, %convert_element_type3A_157, %cond3A_158 : i32
      scf.if %cond3A_159 {
        %dma_wait3A_324 = arith.constant 0 : i32
        %dma_wait3A_325 = tpu.memref_slice %arg4[%mul3A_2, %dma_wait3A_324] : memref<327680x32xf32, #tpu.memory_space<hbm>> -> memref<1280x32xf32, #tpu.memory_space<hbm>>
        %dma_wait3A_326 = arith.constant 0 : i32
        %dma_wait3A_327 = tpu.memref_slice %arg4[%mul3A_2, %dma_wait3A_326] : memref<327680x32xf32, #tpu.memory_space<hbm>> -> memref<1280x32xf32, #tpu.memory_space<hbm>>
        tpu.wait_dma2 semaphore(%arg11 : memref<!tpu.dma_semaphore, #tpu.memory_space<semaphore_mem>>) src(%arg7 : memref<1280x32xf32, #tpu.memory_space<vmem>>) dst(%dma_wait3A_327 : memref<1280x32xf32, #tpu.memory_space<hbm>>)
      } else {
      }
      %mul3A_160 = arith.constant 10 : i32
      %mul3A_161 = arith.muli %add3A_154, %mul3A_160 : i32
      %add3A_162 = arith.constant 0 : i32
      %add3A_163 = arith.addi %mul3A_161, %add3A_162 : i32
      %dma_start3A_164 = arith.constant 0 : i32
      %dma_start3A_165 = arith.constant 0 : i32
      %dma_start3A_166 = tpu.memref_slice %arg7[%dma_start3A_164, %dma_start3A_165] : memref<1280x32xf32, #tpu.memory_space<vmem>> -> memref<128x32xf32, #tpu.memory_space<vmem>>
      %dma_start3A_167 = arith.constant 0 : i32
      %dma_start3A_168 = tpu.memref_slice %arg5[%add3A_163, %dma_start3A_167] : memref<80x128xi32, #tpu.memory_space<vmem>> -> memref<1x128xi32, #tpu.memory_space<vmem>>
      %dma_start3A_169 = tpu.memref_squeeze %dma_start3A_168 : memref<1x128xi32, #tpu.memory_space<vmem>> -> memref<128xi32, #tpu.memory_space<vmem>>
      %dma_start3A_170 = arith.constant 0 : i32
      %dma_start3A_171 = arith.constant 0 : i32
      %dma_start3A_172 = tpu.memref_slice %arg3[%dma_start3A_170, %dma_start3A_171] : memref<1000000x32xf32, #tpu.memory_space<hbm>> -> memref<1000000x32xf32, #tpu.memory_space<hbm>>
      tpu.enqueue_indirect_dma source(%dma_start3A_172 : memref<1000000x32xf32, #tpu.memory_space<hbm>>) target(%dma_start3A_166 : memref<128x32xf32, #tpu.memory_space<vmem>>) offsets(%dma_start3A_169 : memref<128xi32, #tpu.memory_space<vmem>>) semaphore(%arg9 : memref<!tpu.dma_semaphore, #tpu.memory_space<semaphore_mem>>)
      %mul3A_173 = arith.constant 10 : i32
      %mul3A_174 = arith.muli %add3A_154, %mul3A_173 : i32
      %add3A_175 = arith.constant 1 : i32
      %add3A_176 = arith.addi %mul3A_174, %add3A_175 : i32
      %dma_start3A_177 = arith.constant 128 : i32
      %dma_start3A_178 = arith.constant 0 : i32
      %dma_start3A_179 = tpu.memref_slice %arg7[%dma_start3A_177, %dma_start3A_178] : memref<1280x32xf32, #tpu.memory_space<vmem>> -> memref<128x32xf32, #tpu.memory_space<vmem>>
      %dma_start3A_180 = arith.constant 0 : i32
      %dma_start3A_181 = tpu.memref_slice %arg5[%add3A_176, %dma_start3A_180] : memref<80x128xi32, #tpu.memory_space<vmem>> -> memref<1x128xi32, #tpu.memory_space<vmem>>
      %dma_start3A_182 = tpu.memref_squeeze %dma_start3A_181 : memref<1x128xi32, #tpu.memory_space<vmem>> -> memref<128xi32, #tpu.memory_space<vmem>>
      %dma_start3A_183 = arith.constant 0 : i32
      %dma_start3A_184 = arith.constant 0 : i32
      %dma_start3A_185 = tpu.memref_slice %arg3[%dma_start3A_183, %dma_start3A_184] : memref<1000000x32xf32, #tpu.memory_space<hbm>> -> memref<1000000x32xf32, #tpu.memory_space<hbm>>
      tpu.enqueue_indirect_dma source(%dma_start3A_185 : memref<1000000x32xf32, #tpu.memory_space<hbm>>) target(%dma_start3A_179 : memref<128x32xf32, #tpu.memory_space<vmem>>) offsets(%dma_start3A_182 : memref<128xi32, #tpu.memory_space<vmem>>) semaphore(%arg9 : memref<!tpu.dma_semaphore, #tpu.memory_space<semaphore_mem>>)
      %mul3A_186 = arith.constant 10 : i32
      %mul3A_187 = arith.muli %add3A_154, %mul3A_186 : i32
      %add3A_188 = arith.constant 2 : i32
      %add3A_189 = arith.addi %mul3A_187, %add3A_188 : i32
      %dma_start3A_190 = arith.constant 256 : i32
      %dma_start3A_191 = arith.constant 0 : i32
      %dma_start3A_192 = tpu.memref_slice %arg7[%dma_start3A_190, %dma_start3A_191] : memref<1280x32xf32, #tpu.memory_space<vmem>> -> memref<128x32xf32, #tpu.memory_space<vmem>>
      %dma_start3A_193 = arith.constant 0 : i32
      %dma_start3A_194 = tpu.memref_slice %arg5[%add3A_189, %dma_start3A_193] : memref<80x128xi32, #tpu.memory_space<vmem>> -> memref<1x128xi32, #tpu.memory_space<vmem>>
      %dma_start3A_195 = tpu.memref_squeeze %dma_start3A_194 : memref<1x128xi32, #tpu.memory_space<vmem>> -> memref<128xi32, #tpu.memory_space<vmem>>
      %dma_start3A_196 = arith.constant 0 : i32
      %dma_start3A_197 = arith.constant 0 : i32
      %dma_start3A_198 = tpu.memref_slice %arg3[%dma_start3A_196, %dma_start3A_197] : memref<1000000x32xf32, #tpu.memory_space<hbm>> -> memref<1000000x32xf32, #tpu.memory_space<hbm>>
      tpu.enqueue_indirect_dma source(%dma_start3A_198 : memref<1000000x32xf32, #tpu.memory_space<hbm>>) target(%dma_start3A_192 : memref<128x32xf32, #tpu.memory_space<vmem>>) offsets(%dma_start3A_195 : memref<128xi32, #tpu.memory_space<vmem>>) semaphore(%arg9 : memref<!tpu.dma_semaphore, #tpu.memory_space<semaphore_mem>>)
      %mul3A_199 = arith.constant 10 : i32
      %mul3A_200 = arith.muli %add3A_154, %mul3A_199 : i32
      %add3A_201 = arith.constant 3 : i32
      %add3A_202 = arith.addi %mul3A_200, %add3A_201 : i32
      %dma_start3A_203 = arith.constant 384 : i32
      %dma_start3A_204 = arith.constant 0 : i32
      %dma_start3A_205 = tpu.memref_slice %arg7[%dma_start3A_203, %dma_start3A_204] : memref<1280x32xf32, #tpu.memory_space<vmem>> -> memref<128x32xf32, #tpu.memory_space<vmem>>
      %dma_start3A_206 = arith.constant 0 : i32
      %dma_start3A_207 = tpu.memref_slice %arg5[%add3A_202, %dma_start3A_206] : memref<80x128xi32, #tpu.memory_space<vmem>> -> memref<1x128xi32, #tpu.memory_space<vmem>>
      %dma_start3A_208 = tpu.memref_squeeze %dma_start3A_207 : memref<1x128xi32, #tpu.memory_space<vmem>> -> memref<128xi32, #tpu.memory_space<vmem>>
      %dma_start3A_209 = arith.constant 0 : i32
      %dma_start3A_210 = arith.constant 0 : i32
      %dma_start3A_211 = tpu.memref_slice %arg3[%dma_start3A_209, %dma_start3A_210] : memref<1000000x32xf32, #tpu.memory_space<hbm>> -> memref<1000000x32xf32, #tpu.memory_space<hbm>>
      tpu.enqueue_indirect_dma source(%dma_start3A_211 : memref<1000000x32xf32, #tpu.memory_space<hbm>>) target(%dma_start3A_205 : memref<128x32xf32, #tpu.memory_space<vmem>>) offsets(%dma_start3A_208 : memref<128xi32, #tpu.memory_space<vmem>>) semaphore(%arg9 : memref<!tpu.dma_semaphore, #tpu.memory_space<semaphore_mem>>)
      %mul3A_212 = arith.constant 10 : i32
      %mul3A_213 = arith.muli %add3A_154, %mul3A_212 : i32
      %add3A_214 = arith.constant 4 : i32
      %add3A_215 = arith.addi %mul3A_213, %add3A_214 : i32
      %dma_start3A_216 = arith.constant 512 : i32
      %dma_start3A_217 = arith.constant 0 : i32
      %dma_start3A_218 = tpu.memref_slice %arg7[%dma_start3A_216, %dma_start3A_217] : memref<1280x32xf32, #tpu.memory_space<vmem>> -> memref<128x32xf32, #tpu.memory_space<vmem>>
      %dma_start3A_219 = arith.constant 0 : i32
      %dma_start3A_220 = tpu.memref_slice %arg5[%add3A_215, %dma_start3A_219] : memref<80x128xi32, #tpu.memory_space<vmem>> -> memref<1x128xi32, #tpu.memory_space<vmem>>
      %dma_start3A_221 = tpu.memref_squeeze %dma_start3A_220 : memref<1x128xi32, #tpu.memory_space<vmem>> -> memref<128xi32, #tpu.memory_space<vmem>>
      %dma_start3A_222 = arith.constant 0 : i32
      %dma_start3A_223 = arith.constant 0 : i32
      %dma_start3A_224 = tpu.memref_slice %arg3[%dma_start3A_222, %dma_start3A_223] : memref<1000000x32xf32, #tpu.memory_space<hbm>> -> memref<1000000x32xf32, #tpu.memory_space<hbm>>
      tpu.enqueue_indirect_dma source(%dma_start3A_224 : memref<1000000x32xf32, #tpu.memory_space<hbm>>) target(%dma_start3A_218 : memref<128x32xf32, #tpu.memory_space<vmem>>) offsets(%dma_start3A_221 : memref<128xi32, #tpu.memory_space<vmem>>) semaphore(%arg9 : memref<!tpu.dma_semaphore, #tpu.memory_space<semaphore_mem>>)
      %mul3A_225 = arith.constant 10 : i32
      %mul3A_226 = arith.muli %add3A_154, %mul3A_225 : i32
      %add3A_227 = arith.constant 5 : i32
      %add3A_228 = arith.addi %mul3A_226, %add3A_227 : i32
      %dma_start3A_229 = arith.constant 640 : i32
      %dma_start3A_230 = arith.constant 0 : i32
      %dma_start3A_231 = tpu.memref_slice %arg7[%dma_start3A_229, %dma_start3A_230] : memref<1280x32xf32, #tpu.memory_space<vmem>> -> memref<128x32xf32, #tpu.memory_space<vmem>>
      %dma_start3A_232 = arith.constant 0 : i32
      %dma_start3A_233 = tpu.memref_slice %arg5[%add3A_228, %dma_start3A_232] : memref<80x128xi32, #tpu.memory_space<vmem>> -> memref<1x128xi32, #tpu.memory_space<vmem>>
      %dma_start3A_234 = tpu.memref_squeeze %dma_start3A_233 : memref<1x128xi32, #tpu.memory_space<vmem>> -> memref<128xi32, #tpu.memory_space<vmem>>
      %dma_start3A_235 = arith.constant 0 : i32
      %dma_start3A_236 = arith.constant 0 : i32
      %dma_start3A_237 = tpu.memref_slice %arg3[%dma_start3A_235, %dma_start3A_236] : memref<1000000x32xf32, #tpu.memory_space<hbm>> -> memref<1000000x32xf32, #tpu.memory_space<hbm>>
      tpu.enqueue_indirect_dma source(%dma_start3A_237 : memref<1000000x32xf32, #tpu.memory_space<hbm>>) target(%dma_start3A_231 : memref<128x32xf32, #tpu.memory_space<vmem>>) offsets(%dma_start3A_234 : memref<128xi32, #tpu.memory_space<vmem>>) semaphore(%arg9 : memref<!tpu.dma_semaphore, #tpu.memory_space<semaphore_mem>>)
      %mul3A_238 = arith.constant 10 : i32
      %mul3A_239 = arith.muli %add3A_154, %mul3A_238 : i32
      %add3A_240 = arith.constant 6 : i32
      %add3A_241 = arith.addi %mul3A_239, %add3A_240 : i32
      %dma_start3A_242 = arith.constant 768 : i32
      %dma_start3A_243 = arith.constant 0 : i32
      %dma_start3A_244 = tpu.memref_slice %arg7[%dma_start3A_242, %dma_start3A_243] : memref<1280x32xf32, #tpu.memory_space<vmem>> -> memref<128x32xf32, #tpu.memory_space<vmem>>
      %dma_start3A_245 = arith.constant 0 : i32
      %dma_start3A_246 = tpu.memref_slice %arg5[%add3A_241, %dma_start3A_245] : memref<80x128xi32, #tpu.memory_space<vmem>> -> memref<1x128xi32, #tpu.memory_space<vmem>>
      %dma_start3A_247 = tpu.memref_squeeze %dma_start3A_246 : memref<1x128xi32, #tpu.memory_space<vmem>> -> memref<128xi32, #tpu.memory_space<vmem>>
      %dma_start3A_248 = arith.constant 0 : i32
      %dma_start3A_249 = arith.constant 0 : i32
      %dma_start3A_250 = tpu.memref_slice %arg3[%dma_start3A_248, %dma_start3A_249] : memref<1000000x32xf32, #tpu.memory_space<hbm>> -> memref<1000000x32xf32, #tpu.memory_space<hbm>>
      tpu.enqueue_indirect_dma source(%dma_start3A_250 : memref<1000000x32xf32, #tpu.memory_space<hbm>>) target(%dma_start3A_244 : memref<128x32xf32, #tpu.memory_space<vmem>>) offsets(%dma_start3A_247 : memref<128xi32, #tpu.memory_space<vmem>>) semaphore(%arg9 : memref<!tpu.dma_semaphore, #tpu.memory_space<semaphore_mem>>)
      %mul3A_251 = arith.constant 10 : i32
      %mul3A_252 = arith.muli %add3A_154, %mul3A_251 : i32
      %add3A_253 = arith.constant 7 : i32
      %add3A_254 = arith.addi %mul3A_252, %add3A_253 : i32
      %dma_start3A_255 = arith.constant 896 : i32
      %dma_start3A_256 = arith.constant 0 : i32
      %dma_start3A_257 = tpu.memref_slice %arg7[%dma_start3A_255, %dma_start3A_256] : memref<1280x32xf32, #tpu.memory_space<vmem>> -> memref<128x32xf32, #tpu.memory_space<vmem>>
      %dma_start3A_258 = arith.constant 0 : i32
      %dma_start3A_259 = tpu.memref_slice %arg5[%add3A_254, %dma_start3A_258] : memref<80x128xi32, #tpu.memory_space<vmem>> -> memref<1x128xi32, #tpu.memory_space<vmem>>
      %dma_start3A_260 = tpu.memref_squeeze %dma_start3A_259 : memref<1x128xi32, #tpu.memory_space<vmem>> -> memref<128xi32, #tpu.memory_space<vmem>>
      %dma_start3A_261 = arith.constant 0 : i32
      %dma_start3A_262 = arith.constant 0 : i32
      %dma_start3A_263 = tpu.memref_slice %arg3[%dma_start3A_261, %dma_start3A_262] : memref<1000000x32xf32, #tpu.memory_space<hbm>> -> memref<1000000x32xf32, #tpu.memory_space<hbm>>
      tpu.enqueue_indirect_dma source(%dma_start3A_263 : memref<1000000x32xf32, #tpu.memory_space<hbm>>) target(%dma_start3A_257 : memref<128x32xf32, #tpu.memory_space<vmem>>) offsets(%dma_start3A_260 : memref<128xi32, #tpu.memory_space<vmem>>) semaphore(%arg9 : memref<!tpu.dma_semaphore, #tpu.memory_space<semaphore_mem>>)
      %mul3A_264 = arith.constant 10 : i32
      %mul3A_265 = arith.muli %add3A_154, %mul3A_264 : i32
      %add3A_266 = arith.constant 8 : i32
      %add3A_267 = arith.addi %mul3A_265, %add3A_266 : i32
      %dma_start3A_268 = arith.constant 1024 : i32
      %dma_start3A_269 = arith.constant 0 : i32
      %dma_start3A_270 = tpu.memref_slice %arg7[%dma_start3A_268, %dma_start3A_269] : memref<1280x32xf32, #tpu.memory_space<vmem>> -> memref<128x32xf32, #tpu.memory_space<vmem>>
      %dma_start3A_271 = arith.constant 0 : i32
      %dma_start3A_272 = tpu.memref_slice %arg5[%add3A_267, %dma_start3A_271] : memref<80x128xi32, #tpu.memory_space<vmem>> -> memref<1x128xi32, #tpu.memory_space<vmem>>
      %dma_start3A_273 = tpu.memref_squeeze %dma_start3A_272 : memref<1x128xi32, #tpu.memory_space<vmem>> -> memref<128xi32, #tpu.memory_space<vmem>>
      %dma_start3A_274 = arith.constant 0 : i32
      %dma_start3A_275 = arith.constant 0 : i32
      %dma_start3A_276 = tpu.memref_slice %arg3[%dma_start3A_274, %dma_start3A_275] : memref<1000000x32xf32, #tpu.memory_space<hbm>> -> memref<1000000x32xf32, #tpu.memory_space<hbm>>
      tpu.enqueue_indirect_dma source(%dma_start3A_276 : memref<1000000x32xf32, #tpu.memory_space<hbm>>) target(%dma_start3A_270 : memref<128x32xf32, #tpu.memory_space<vmem>>) offsets(%dma_start3A_273 : memref<128xi32, #tpu.memory_space<vmem>>) semaphore(%arg9 : memref<!tpu.dma_semaphore, #tpu.memory_space<semaphore_mem>>)
      %mul3A_277 = arith.constant 10 : i32
      %mul3A_278 = arith.muli %add3A_154, %mul3A_277 : i32
      %add3A_279 = arith.constant 9 : i32
      %add3A_280 = arith.addi %mul3A_278, %add3A_279 : i32
      %dma_start3A_281 = arith.constant 1152 : i32
      %dma_start3A_282 = arith.constant 0 : i32
      %dma_start3A_283 = tpu.memref_slice %arg7[%dma_start3A_281, %dma_start3A_282] : memref<1280x32xf32, #tpu.memory_space<vmem>> -> memref<128x32xf32, #tpu.memory_space<vmem>>
      %dma_start3A_284 = arith.constant 0 : i32
      %dma_start3A_285 = tpu.memref_slice %arg5[%add3A_280, %dma_start3A_284] : memref<80x128xi32, #tpu.memory_space<vmem>> -> memref<1x128xi32, #tpu.memory_space<vmem>>
      %dma_start3A_286 = tpu.memref_squeeze %dma_start3A_285 : memref<1x128xi32, #tpu.memory_space<vmem>> -> memref<128xi32, #tpu.memory_space<vmem>>
      %dma_start3A_287 = arith.constant 0 : i32
      %dma_start3A_288 = arith.constant 0 : i32
      %dma_start3A_289 = tpu.memref_slice %arg3[%dma_start3A_287, %dma_start3A_288] : memref<1000000x32xf32, #tpu.memory_space<hbm>> -> memref<1000000x32xf32, #tpu.memory_space<hbm>>
      tpu.enqueue_indirect_dma source(%dma_start3A_289 : memref<1000000x32xf32, #tpu.memory_space<hbm>>) target(%dma_start3A_283 : memref<128x32xf32, #tpu.memory_space<vmem>>) offsets(%dma_start3A_286 : memref<128xi32, #tpu.memory_space<vmem>>) semaphore(%arg9 : memref<!tpu.dma_semaphore, #tpu.memory_space<semaphore_mem>>)
      %mul3A_290 = arith.constant 2 : i32
      %mul3A_291 = arith.muli %mul3A_290, %scan3A_15 : i32
      %add3A_292 = arith.constant 0 : i32
      %add3A_293 = arith.addi %mul3A_291, %add3A_292 : i32
      %dma_wait3A_294 = arith.constant 0 : i32
      %dma_wait3A_295 = arith.constant 0 : i32
      %dma_wait3A_296 = tpu.memref_slice %arg3[%dma_wait3A_294, %dma_wait3A_295] : memref<1000000x32xf32, #tpu.memory_space<hbm>> -> memref<1280x32xf32, #tpu.memory_space<hbm>>
      %dma_wait3A_297 = arith.constant 0 : i32
      %dma_wait3A_298 = arith.constant 0 : i32
      %dma_wait3A_299 = tpu.memref_slice %arg3[%dma_wait3A_297, %dma_wait3A_298] : memref<1000000x32xf32, #tpu.memory_space<hbm>> -> memref<1280x32xf32, #tpu.memory_space<hbm>>
      tpu.wait_dma2 semaphore(%arg8 : memref<!tpu.dma_semaphore, #tpu.memory_space<semaphore_mem>>) src(%dma_wait3A_299 : memref<1280x32xf32, #tpu.memory_space<hbm>>) dst(%arg6 : memref<1280x32xf32, #tpu.memory_space<vmem>>)
      %mul3A_300 = arith.constant 1280 : i32
      %mul3A_301 = arith.muli %add3A_293, %mul3A_300 : i32
      %add3A_302 = arith.addi %mul3A_2, %mul3A_301 : i32
      %dma_start3A_303 = arith.constant 0 : i32
      %dma_start3A_304 = tpu.memref_slice %arg4[%add3A_302, %dma_start3A_303] : memref<327680x32xf32, #tpu.memory_space<hbm>> -> memref<1280x32xf32, #tpu.memory_space<hbm>>
      %dma_start3A_305 = arith.constant 0 : i32
      %dma_start3A_306 = tpu.memref_slice %arg4[%add3A_302, %dma_start3A_305] : memref<327680x32xf32, #tpu.memory_space<hbm>> -> memref<1280x32xf32, #tpu.memory_space<hbm>>
      tpu.enqueue_dma source(%arg6 : memref<1280x32xf32, #tpu.memory_space<vmem>>) target(%dma_start3A_306 : memref<1280x32xf32, #tpu.memory_space<hbm>>) target_semaphore(%arg10 : memref<!tpu.dma_semaphore, #tpu.memory_space<semaphore_mem>>)
      %mul3A_307 = arith.constant 2 : i32
      %mul3A_308 = arith.muli %mul3A_307, %scan3A_15 : i32
      %add3A_309 = arith.constant 1 : i32
      %add3A_310 = arith.addi %mul3A_308, %add3A_309 : i32
      %dma_wait3A_311 = arith.constant 0 : i32
      %dma_wait3A_312 = arith.constant 0 : i32
      %dma_wait3A_313 = tpu.memref_slice %arg3[%dma_wait3A_311, %dma_wait3A_312] : memref<1000000x32xf32, #tpu.memory_space<hbm>> -> memref<1280x32xf32, #tpu.memory_space<hbm>>
      %dma_wait3A_314 = arith.constant 0 : i32
      %dma_wait3A_315 = arith.constant 0 : i32
      %dma_wait3A_316 = tpu.memref_slice %arg3[%dma_wait3A_314, %dma_wait3A_315] : memref<1000000x32xf32, #tpu.memory_space<hbm>> -> memref<1280x32xf32, #tpu.memory_space<hbm>>
      tpu.wait_dma2 semaphore(%arg9 : memref<!tpu.dma_semaphore, #tpu.memory_space<semaphore_mem>>) src(%dma_wait3A_316 : memref<1280x32xf32, #tpu.memory_space<hbm>>) dst(%arg7 : memref<1280x32xf32, #tpu.memory_space<vmem>>)
      %mul3A_317 = arith.constant 1280 : i32
      %mul3A_318 = arith.muli %add3A_310, %mul3A_317 : i32
      %add3A_319 = arith.addi %mul3A_2, %mul3A_318 : i32
      %dma_start3A_320 = arith.constant 0 : i32
      %dma_start3A_321 = tpu.memref_slice %arg4[%add3A_319, %dma_start3A_320] : memref<327680x32xf32, #tpu.memory_space<hbm>> -> memref<1280x32xf32, #tpu.memory_space<hbm>>
      %dma_start3A_322 = arith.constant 0 : i32
      %dma_start3A_323 = tpu.memref_slice %arg4[%add3A_319, %dma_start3A_322] : memref<327680x32xf32, #tpu.memory_space<hbm>> -> memref<1280x32xf32, #tpu.memory_space<hbm>>
      tpu.enqueue_dma source(%arg7 : memref<1280x32xf32, #tpu.memory_space<vmem>>) target(%dma_start3A_323 : memref<1280x32xf32, #tpu.memory_space<hbm>>) target_semaphore(%arg11 : memref<!tpu.dma_semaphore, #tpu.memory_space<semaphore_mem>>)
    }
    %scan3A_7 = arith.constant 4 : i32
    %dma_wait3A = arith.constant 0 : i32
    %dma_wait3A_8 = tpu.memref_slice %arg4[%mul3A_2, %dma_wait3A] : memref<327680x32xf32, #tpu.memory_space<hbm>> -> memref<1280x32xf32, #tpu.memory_space<hbm>>
    %dma_wait3A_9 = arith.constant 0 : i32
    %dma_wait3A_10 = tpu.memref_slice %arg4[%mul3A_2, %dma_wait3A_9] : memref<327680x32xf32, #tpu.memory_space<hbm>> -> memref<1280x32xf32, #tpu.memory_space<hbm>>
    tpu.wait_dma2 semaphore(%arg10 : memref<!tpu.dma_semaphore, #tpu.memory_space<semaphore_mem>>) src(%arg6 : memref<1280x32xf32, #tpu.memory_space<vmem>>) dst(%dma_wait3A_10 : memref<1280x32xf32, #tpu.memory_space<hbm>>)
    %dma_wait3A_11 = arith.constant 0 : i32
    %dma_wait3A_12 = tpu.memref_slice %arg4[%mul3A_2, %dma_wait3A_11] : memref<327680x32xf32, #tpu.memory_space<hbm>> -> memref<1280x32xf32, #tpu.memory_space<hbm>>
    %dma_wait3A_13 = arith.constant 0 : i32
    %dma_wait3A_14 = tpu.memref_slice %arg4[%mul3A_2, %dma_wait3A_13] : memref<327680x32xf32, #tpu.memory_space<hbm>> -> memref<1280x32xf32, #tpu.memory_space<hbm>>
    tpu.wait_dma2 semaphore(%arg11 : memref<!tpu.dma_semaphore, #tpu.memory_space<semaphore_mem>>) src(%arg7 : memref<1280x32xf32, #tpu.memory_space<vmem>>) dst(%dma_wait3A_14 : memref<1280x32xf32, #tpu.memory_space<hbm>>)
    return
  }
}

</mosaic_0001>

<sc_bundles>
// kernel: _emb_lookup.3.cloned.1.call-start
scs
__scs_entry_jumppad:
0x0: {  	(pc) =	sbr.rel $0x88, $3  }
0x1: {  	(tag) =	ssettag $0x0;
	lr =	simm.s32 $0x1  }
0x2: {  	[smem:$0x3F9F] =	sst lr;
	_ =	strace $0xD0000000  }
0x3: {  	_ = 	snop  }
0x4: {  	_ = 	snop  }
0x5: {  	_ = 	snop  }
0x6: {  	_ = 	snop  }
0x7: {  	_ = 	snop  }
__scs_overlays_trampoline_lowered:
0x8: {  	[smem:$0x3FAE] =	sst s0  }
0x9: {  	[smem:$0x3FAF] =	sst s1  }
0xa: {  	[smem:$0x3FB0] =	sst s2  }
0xb: {  	[smem:$0x3FB1] =	sst s3  }
0xc: {  	[smem:$0x3FB2] =	sst s4  }
0xd: {  	[smem:$0x3FB3] =	sst s5  }
0xe: {  	[smem:$0x3FB4] =	sst s6  }
0xf: {  	[smem:$0x3FB5] =	sst s7  }
0x10: {  	[smem:$0x3FB6] =	sst s8  }
0x11: {  	[smem:$0x3FB7] =	sst s9;
	s0 =	simm.s32 @!p0 $0x0  }
0x12: {  	s1 =	sld [smem:$0x3F9D];
	s0 =	simm.s32 @p0 $0x1  }
0x13: {  	[smem:$0x3FB8] =	sst s0;
	s0 =	simm.s32 @!p1 $0x0  }
0x14: {  	s2 =	sld [smem:$0x3F9C];
	s0 =	simm.s32 @p1 $0x1  }
0x15: {  	[smem:$0x3FB9] =	sst s0;
	s0 =	simm.s32 @!p2 $0x0  }
0x16: {  	s3 =	sld [smem:$0x3FDB];
	s0 =	simm.s32 @p2 $0x1  }
0x17: {  	s4 =	simm.s32 $0x1BF5;
	[smem:$0x3FBB] =	sst s0  }
0x18: {  	s0 =	sld [smem:$0x3F9E];
	_ =	swait.ge [sflag:s4], $0x0  }
0x19: {  	s7 =	sld [smem:$0x3F9F]  }
0x1a: {  	s8 =	sadd.s32 $0xFFFFE003, lr  }
0x1b: {  	s9 =	sadd.s32 $0xFFFFFEF7, lr;
	s5 =	simm.s32 $0xFFFFFFFF;
	p2 =	slt.u32 s8, $0xFFFFF086  }
0x1c: {  	p1 =	slt.u32 s9, $0xF7A;
	s5 =	simm.s32 @!p2 $0x0  }
0x1d: {  	s5 =	simm.s32 @p1 $0x1;
	p0 =	seq.s32 s7, s2  }
0x1e: {  	s7 =	smul.u32 @!p0 $0xF7A, s2;
	p2 =	seq.s32 @!p0 s5, $0x0  }
0x1f: {  	s9 =	smul.u32 $0xF7A, s1;
	s8 =	simm.s32 @!p0 $0x1BF5;
	p2 =	por !p2, p0  }
0x20: {  	[sflag:s8] =	ssyncset.s32 @!p0 $0xFFFFF086;
	s6 =	sadd.s32 @!p0 s3, s7;
	s7 =	simm.s32 @!p0 $0x108  }
0x21: {  	s3 =	sadd.s32 s3, s9;
	s6 =	sadd.s32 @!p0 $0x88, s6;
	s7 =	simm.s32 @p2 $0x1082  }
0x22: {  	[simem:s7], [sflag:s8] =	dma.local @!p0 [hbm:s6], $0xF7A  }
0x23: {  	s9 =	sor.u32 $0xD0000000, s2;
	s6 =	simm.s32 $0x108;
	_ =	swait.ge @!p0 [sflag:s8], $0x0  }
0x24: {  	s3 =	sadd.s32 $0x88, s3;
	s6 =	simm.s32 @!p1 $0x1082;
	[sflag:s4] =	ssyncset.s32 $0xFFFFF086  }
0x25: {  	[simem:s6], [sflag:s4] =	dma.local [hbm:s3], $0xF7A  }
0x26: {  	[smem:$0x3F9F] =	sst s1;
	(tag) =	ssettag s2;
	_ =	strace s9  }
0x27: {  	s1 =	sld [smem:$0x3FAF]  }
0x28: {  	s2 =	sld [smem:$0x3FB0]  }
0x29: {  	s4 =	sld [smem:$0x3FB2]  }
0x2a: {  	p0 =	seq.s32 s5, $0x0;
	s5 =	sld [smem:$0x3FB3]  }
0x2b: {  	s6 =	sld [smem:$0x3FB4]  }
0x2c: {  	s7 =	sld [smem:$0x3FB5]  }
0x2d: {  	s3 =	simm.s32 $0x108;
	s8 =	sld [smem:$0x3FB6]  }
0x2e: {  	s3 =	simm.s32 @!p0 $0x1082;
	s9 =	sld [smem:$0x3FB7]  }
0x2f: {  	lr =	sadd.s32 s0, s3;
	s0 =	sld [smem:$0x3FAE]  }
0x30: {  	s3 =	sld [smem:$0x3FB1]  }
0x31: {  	[smem:$0x3FBA] =	sst s10  }
0x32: {  	s10 =	sld [smem:$0x3FB8];
	_ =	sdelay $0x3  }
0x33: {  	p0 =	seq.s32 s10, $0x1;
	s10 =	sld [smem:$0x3FBA];
	_ =	sdelay $0x3  }
0x34: {  	[smem:$0x3FBA] =	sst s10  }
0x35: {  	s10 =	sld [smem:$0x3FB9];
	_ =	sdelay $0x3  }
0x36: {  	p1 =	seq.s32 s10, $0x1;
	s10 =	sld [smem:$0x3FBA];
	_ =	sdelay $0x3  }
0x37: {  	[smem:$0x3FBA] =	sst s10  }
0x38: {  	s10 =	sld [smem:$0x3FBB]  }
0x39: {  	_ = 	snop;
	(pc) =	sbr.ind lr, $3  }
0x3a: {  	_ = 	snop  }
0x3b: {  	_ = 	snop  }
0x3c: {  	p2 =	seq.s32 s10, $0x1;
	s10 =	sld [smem:$0x3FBA]  }
0x3d: {  	_ =	shalt  }
0x3e: {  	_ =	shalt  }
0x3f: {  	_ =	shalt  }
0x40: {  	_ =	shalt  }
0x41: {  	_ =	shalt  }
0x42: {  	_ =	shalt  }
0x43: {  	_ =	shalt  }
0x44: {  	_ =	shalt  }
0x45: {  	_ =	shalt  }
0x46: {  	_ =	shalt  }
0x47: {  	_ =	shalt  }
0x48: {  	_ =	shalt  }
0x49: {  	_ =	shalt  }
0x4a: {  	_ =	shalt  }
0x4b: {  	_ =	shalt  }
0x4c: {  	_ =	shalt  }
0x4d: {  	_ =	shalt  }
0x4e: {  	_ =	shalt  }
0x4f: {  	_ =	shalt  }
0x50: {  	_ =	shalt  }
0x51: {  	_ =	shalt  }
0x52: {  	_ =	shalt  }
0x53: {  	_ =	shalt  }
0x54: {  	_ =	shalt  }
0x55: {  	_ =	shalt  }
0x56: {  	_ =	shalt  }
0x57: {  	_ =	shalt  }
0x58: {  	_ =	shalt  }
0x59: {  	_ =	shalt  }
0x5a: {  	_ =	shalt  }
0x5b: {  	_ =	shalt  }
0x5c: {  	_ =	shalt  }
0x5d: {  	_ =	shalt  }
0x5e: {  	_ =	shalt  }
0x5f: {  	_ =	shalt  }
0x60: {  	_ =	shalt  }
0x61: {  	_ =	shalt  }
0x62: {  	_ =	shalt  }
0x63: {  	_ =	shalt  }
0x64: {  	_ =	shalt  }
0x65: {  	_ =	shalt  }
0x66: {  	_ =	shalt  }
0x67: {  	_ =	shalt  }
0x68: {  	_ =	shalt  }
0x69: {  	_ =	shalt  }
0x6a: {  	_ =	shalt  }
0x6b: {  	_ =	shalt  }
0x6c: {  	_ =	shalt  }
0x6d: {  	_ =	shalt  }
0x6e: {  	_ =	shalt  }
0x6f: {  	_ =	shalt  }
0x70: {  	_ =	shalt  }
0x71: {  	_ =	shalt  }
0x72: {  	_ =	shalt  }
0x73: {  	_ =	shalt  }
0x74: {  	_ =	shalt  }
0x75: {  	_ =	shalt  }
0x76: {  	_ =	shalt  }
0x77: {  	_ =	shalt  }
0x78: {  	_ =	shalt  }
0x79: {  	_ =	shalt  }
0x7a: {  	_ =	shalt  }
0x7b: {  	_ =	shalt  }
0x7c: {  	_ =	shalt  }
0x7d: {  	_ =	shalt  }
0x7e: {  	_ =	shalt  }
0x7f: {  	_ =	shalt  }
0x80: {  	_ =	shalt  }
0x81: {  	_ =	shalt  }
0x82: {  	_ =	shalt  }
0x83: {  	_ =	shalt  }
0x84: {  	_ =	shalt  }
0x85: {  	_ =	shalt  }
0x86: {  	_ =	shalt  }
0x87: {  	_ =	shalt  }
.Lfunc_end0:
.L_simem_size_0:
called_computation.1_lowered:
.L_overlay_start_0:
0x88: {  	s2 =	sld [smem:$0x3FD9]  }
0x89: {  	s3 =	sld [smem:$0x3FFE];
	_ =	sdelay $0x1  }
0x8a: {  	s1 =	srdreg.scid  }
0x8b: {  	s0 =	sand.u32 $0x1, s1  }
0x8c: {  	s17 =	sshll.u32 s0, $0xA;
	s2 =	sadd.s32 s3, s2  }
0x8d: {  	s2 =	sadd.s32 s2, s17  }
0x8e: {  	[smem:$0x3FC6] =	sst s2  }
0x8f: {  	_ = 	snop  }
0x90: {  	s2 =	sld [smem:$0x3FC9]  }
0x91: {  	s18 =	sld [smem:$0x3FD0];
	(tm) =	ssettm $0x1  }
0x92: {  	s4 =	sld [smem:$0x3FFB];
	_ =	sdelay $0x3  }
0x93: {  	_ =	strace s4  }
0x94: {  	s4 =	sld [smem:$0x3FFC];
	_ =	sdelay $0x3  }
0x95: {  	_ =	strace s4  }
0x96: {  	s4 =	sld [smem:$0x3FFD];
	_ =	sdelay $0x3  }
0x97: {  	_ =	strace s4  }
0x98: {  	_ =	strace $0x8FFFFFFF  }
0x99: {  	s19 =	sld [smem:$0x3FDB];
	_ =	sdelay $0x1  }
0x9a: {  	s5 =	simm.s32 $_scs_section_size  }
0x9b: {  	s6 =	simm.s32 $_size__tile_overlayer_lowered;
	s7 =	simm.s32 $_tile_overlayer_lowered  }
0x9c: {  	s22 =	simm.s32 $0x1BFF;
	s21 =	sshll.u32 s7, $0x1;
	s4 =	sadd.s32 s5, s19  }
0x9d: {  	s8 =	simm.s32 $0x0;
	s20 =	sshll.u32 s6, $0x1;
	s6 =	sadd.s32 s21, s4  }
0x9e: {  	[timem:s8], [sflag:s22] =	dma.local [hbm:s6], s20  }
0x9f: {  	_ =	swait.ge [sflag:s22], s20  }
0xa0: {  	s5 =	ssub.s32 $0x0, s20;
	[sflag:s22] =	ssyncset.done $0x0  }
0xa1: {  	[sflag:s22] =	ssyncadd.s32 s5;
	_ =	sdelay $0x1  }
0xa2: {  	s23 =	simm.s32 $0x1B8B  }
0xa3: {  	_ =	swait.ge [sflag:s23], $0x1  }
0xa4: {  	[sflag:s23] =	ssyncset.done $0x0  }
0xa5: {  	s25 =	simm.s32 $0x1B8E;
	s24 =	sld [smem:$0x3FFE];
	[sflag:s23] =	ssyncadd.s32 $0xFFFFFFFF  }
0xa6: {  	s26 =	simm.s32 $execute0_lowered;
	[smem:$0x3FD2] =	sst s25  }
0xa7: {  	s6 =	sshll.u32 s26, $0x1;
	_ =	strace $0x80000046;
	[dreg:$0x1] =	wrdreg $0xFFFFFFFF  }
0xa8: {  	s28 =	simm.s32 $_size_execute0_lowered;
	s4 =	sadd.s32 s4, s6;
	[dreg:$0x0] =	wrdreg $0x0  }
0xa9: {  	s6 =	sshll.u32 s28, $0x1;
	[dreg:$0x2] =	wrdreg s4  }
0xaa: {  	[dreg:$0x3] =	wrdreg s6  }
0xab: {  	[dreg:$0x4] =	wrdreg $0xC0  }
0xac: {  	_ =	task [dreg:s8], $0x5FFFF  }
0xad: {  	[dreg:$0x1] =	wrdreg $0xFFFFFFFF  }
0xae: {  	[dreg:$0x0] =	wrdreg $0x60  }
0xaf: {  	[dreg:$0x2] =	wrdreg s2  }
0xb0: {  	[dreg:$0x3] =	wrdreg s24  }
0xb1: {  	[dreg:$0x4] =	wrdreg s18  }
0xb2: {  	[dreg:$0x5] =	wrdreg $0x9  }
0xb3: {  	_ =	task.clear_ibuf [dreg:s8], $0x6FFFF;
	_ =	strace $0x90000046  }
0xb4: {  	s29 =	simm.s32 $0x9;
	_ =	strace $0x80000048  }
0xb5: {  	_ =	swait.ge [sflag:s29], $0x1  }
0xb6: {  	[sflag:s29] =	ssyncadd.s32 $0xFFFFFFFF  }
0xb7: {  	_ =	strace $0x90000048  }
0xb8: {  	_ =	sfence  }
0xb9: {  	s30 =	sld [smem:$0x0];
	_ =	sdelay $0x2  }
0xba: {  	s31 =	sshll.u32 s1, $0xD;
	s1 =	sshrl.u32 s1, $0x2  }
0xbb: {  	s3 =	sand.u32 $0x4000, s31;
	s1 =	sadd.s32 s1, s30  }
0xbc: {  	s0 =	sor.u32 s3, s0;
	s1 =	sshll.u32 s1, $0x11  }
0xbd: {  	s0 =	sor.u32 s1, s0  }
0xbe: {  	s0 =	sadd.s32 $0x8F2B, s0  }
0xbf: {  	[sflag:s0] =	ssyncadd.remote.s32 $0x1  }
0xc0: {  	_ =	sfence.sel $0xFFFF  }
0xc1: {  	[dreg:$0x0] =	wrdreg $0xFFFFFFFF;
	(pc) =	sbr.abs _section_cstart, $3  }
0xc2: {  	[dreg:$0x1] =	wrdreg $0xFFFFFFFF  }
0xc3: {  	_ =	task.clear_ibuf [dreg:s8], $0x2FFFF;
	_ =	strace $0x9FFFFFFF  }
0xc4: {  	(tm) =	ssettm $0x7FFFFFFF  }
0xc5: {  	_ =	shalt  }
tec
execute0_lowered:
.L_overlay_start_1:
0x0: {  	(tag) =	ssettag $0x1  }
0x1: {  	s4 =	rddreg [dreg:$0x0]  }
0x2: {  	s2 =	stileid.u32;
	s3 =	rddreg [dreg:$0x1]  }
0x3: {  	s5 =	rddreg [dreg:$0x2];
	s11 =	sshll.u32 s2, $0x1;
	s2 =	simm.s32 $0x0  }
0x4: {  	s18 =	simm.s32 $0x100;
	[smem:$0x7FF] =	sst s2  }
0x5: {  	s19 =	simm.s32 $0x180;
	_ =	strace $0x80000047;
	[dreg:$0xc] =	wrdreg s18  }
0x6: {  	s20 =	simm.s32 $0x200;
	[dreg:$0xd] =	wrdreg s19  }
0x7: {  	s21 =	simm.s32 $0x280;
	[dreg:$0xe] =	wrdreg s20  }
0x8: {  	s22 =	simm.s32 $0x300;
	[dreg:$0xf] =	wrdreg s21  }
0x9: {  	s23 =	simm.s32 $0x380;
	[dreg:$0x10] =	wrdreg s22  }
0xa: {  	s24 =	simm.s32 $0x400;
	[dreg:$0x11] =	wrdreg s23  }
0xb: {  	s25 =	simm.s32 $0x480;
	[dreg:$0x12] =	wrdreg s24  }
0xc: {  	s26 =	simm.s32 $0x500;
	[dreg:$0x13] =	wrdreg s25  }
0xd: {  	s7 =	simm.s32 $0x680;
	[dreg:$0x14] =	wrdreg s26  }
0xe: {  	s8 =	simm.s32 $0x700;
	[dreg:$0x17] =	wrdreg s7  }
0xf: {  	s0 =	srdreg.scid;
	s9 =	simm.s32 $0x780;
	[dreg:$0x18] =	wrdreg s8  }
0x10: {  	s10 =	simm.s32 $0x800;
	s1 =	sand.u32 $0x1, s0;
	[dreg:$0x19] =	wrdreg s9  }
0x11: {  	s0 =	sor.u32 s1, s11;
	s11 =	simm.s32 $0x880;
	[dreg:$0x1a] =	wrdreg s10  }
0x12: {  	[dreg:$0x1b] =	wrdreg s11;
	s18 =	simm.s32 $0xC00  }
0x13: {  	s19 =	simm.s32 $0xC80;
	[smem:$0x7C6] =	sst s18  }
0x14: {  	s20 =	simm.s32 $0xD00;
	[smem:$0x7C7] =	sst s19  }
0x15: {  	s21 =	simm.s32 $0xD80;
	[smem:$0x7C8] =	sst s20  }
0x16: {  	s22 =	simm.s32 $0xE00;
	[smem:$0x7C9] =	sst s21  }
0x17: {  	s23 =	simm.s32 $0xE80;
	[smem:$0x7CA] =	sst s22  }
0x18: {  	s24 =	simm.s32 $0xF00;
	[smem:$0x7CB] =	sst s23  }
0x19: {  	s25 =	simm.s32 $0xF80;
	[smem:$0x7CC] =	sst s24  }
0x1a: {  	s26 =	simm.s32 $0x1000;
	[smem:$0x7CD] =	sst s25  }
0x1b: {  	s7 =	simm.s32 $0x1180;
	[smem:$0x7CE] =	sst s26  }
0x1c: {  	s8 =	simm.s32 $0x1200;
	[smem:$0x7D1] =	sst s7  }
0x1d: {  	s9 =	simm.s32 $0x1280;
	[smem:$0x7D2] =	sst s8  }
0x1e: {  	s10 =	simm.s32 $0x1300;
	[smem:$0x7D3] =	sst s9  }
0x1f: {  	s11 =	simm.s32 $0x1380;
	[smem:$0x7D4] =	sst s10  }
0x20: {  	[smem:$0x7D5] =	sst s11;
	s18 =	simm.s32 $0x1700  }
0x21: {  	s19 =	simm.s32 $0x1780;
	[smem:$0x7DC] =	sst s18  }
0x22: {  	s20 =	simm.s32 $0x1800;
	[smem:$0x7DD] =	sst s19  }
0x23: {  	s21 =	simm.s32 $0x1880;
	[smem:$0x7DE] =	sst s20  }
0x24: {  	s22 =	simm.s32 $0x1900;
	[smem:$0x7DF] =	sst s21  }
0x25: {  	s23 =	simm.s32 $0x1980;
	[smem:$0x7E0] =	sst s22  }
0x26: {  	s24 =	simm.s32 $0x1A00;
	[smem:$0x7E1] =	sst s23  }
0x27: {  	s25 =	simm.s32 $0x1A80;
	[smem:$0x7E2] =	sst s24  }
0x28: {  	s26 =	simm.s32 $0x1B00;
	[smem:$0x7E3] =	sst s25  }
0x29: {  	s7 =	simm.s32 $0x1C80;
	[smem:$0x7E4] =	sst s26  }
0x2a: {  	s9 =	simm.s32 $0x1D00;
	[smem:$0x7E7] =	sst s7  }
0x2b: {  	s6 =	smul.u32 $0x500, s0;
	s10 =	simm.s32 $0x1D80;
	[smem:$0x7E8] =	sst s9  }
0x2c: {  	s0 =	smul.u32 $0xA000, s0;
	s11 =	simm.s32 $0x1E00;
	[smem:$0x7E9] =	sst s10  }
0x2d: {  	s4 =	sadd.s32 s4, s6;
	[smem:$0x7EA] =	sst s11  }
0x2e: {  	s6 =	sadd.s32 s5, s0;
	s5 =	simm.s32 $0x600;
	[dreg:$0x4] =	wrdreg s4  }
0x2f: {  	s18 =	simm.s32 $0x2180;
	[dreg:$0x16] =	wrdreg s5  }
0x30: {  	s19 =	simm.s32 $0x2200;
	[smem:$0x7F1] =	sst s18  }
0x31: {  	s20 =	simm.s32 $0x2280;
	[smem:$0x7F2] =	sst s19  }
0x32: {  	s21 =	simm.s32 $0x2300;
	[smem:$0x7F3] =	sst s20  }
0x33: {  	s22 =	simm.s32 $0x2380;
	[smem:$0x7F4] =	sst s21  }
0x34: {  	s23 =	simm.s32 $0x2400;
	[smem:$0x7F5] =	sst s22  }
0x35: {  	s24 =	simm.s32 $0x2480;
	[smem:$0x7F6] =	sst s23  }
0x36: {  	s25 =	simm.s32 $0x2500;
	[smem:$0x7F7] =	sst s24  }
0x37: {  	s26 =	simm.s32 $0x2580;
	[smem:$0x7F8] =	sst s25  }
0x38: {  	s0 =	sadd.s32 $0x1400, s6;
	[smem:$0x7F9] =	sst s26  }
0x39: {  	s12 =	sadd.s32 $0x2800, s6;
	[dreg:$0x5] =	wrdreg s0  }
0x3a: {  	s13 =	sadd.s32 $0x3C00, s6;
	[dreg:$0x6] =	wrdreg s12  }
0x3b: {  	s14 =	sadd.s32 $0x5000, s6;
	[dreg:$0x7] =	wrdreg s13  }
0x3c: {  	s15 =	sadd.s32 $0x6400, s6;
	[dreg:$0x8] =	wrdreg s14  }
0x3d: {  	s16 =	sadd.s32 $0x7800, s6;
	[dreg:$0x9] =	wrdreg s15  }
0x3e: {  	s31 =	simm.s32 $0x5;
	s17 =	sadd.s32 $0x8C00, s6;
	[dreg:$0xa] =	wrdreg s16  }
0x3f: {  	s28 =	simm.s32 $0x13800;
	s4 =	simm.s32 $0x580;
	[dreg:$0xb] =	wrdreg s17  }
0x40: {  	p0 =	por $0x0, $0x0;
	s5 =	simm.s32 $0x1100;
	[dreg:$0x15] =	wrdreg s4  }
0x41: {  	s29 =	simm.s32 $0x14800;
	s22 =	simm.s32 $0x2700;
	[smem:$0x7D0] =	sst s5  }
0x42: {  	s30 =	simm.s32 $0x15800;
	s26 =	simm.s32 $0x2780;
	[smem:$0x7FC] =	sst s22  }
0x43: {  	s3 =	sadd.s32 $0xF42C00, s3;
	s1 =	ssub.s32 $0x2, s1;
	[smem:$0x7FD] =	sst s26  }
0x44: {  	s8 =	sshrl.u32 s1, $0x1;
	s12 =	simm.s32 $0x900;
	s0 =	rddreg [dreg:$0x4]  }
0x45: {  	s1 =	ssub.s32 s1, s8;
	s13 =	simm.s32 $0x980;
	[dreg:$0x1c] =	wrdreg s12  }
0x46: {  	s8 =	simm.s32 $0x3800;
	s14 =	simm.s32 $0xA00;
	[dreg:$0x1d] =	wrdreg s13  }
0x47: {  	s9 =	simm.s32 $0x4800;
	s15 =	simm.s32 $0xA80;
	[dreg:$0x1e] =	wrdreg s14  }
0x48: {  	s10 =	simm.s32 $0x5800;
	s16 =	simm.s32 $0xB00;
	[dreg:$0x1f] =	wrdreg s15  }
0x49: {  	s11 =	simm.s32 $0x6800;
	s17 =	simm.s32 $0xB80;
	[smem:$0x7C4] =	sst s16  }
0x4a: {  	s7 =	simm.s32 $0xC800;
	s4 =	simm.s32 $0x1080;
	[smem:$0x7C5] =	sst s17  }
0x4b: {  	s1 =	smax.u32 s1, $0x1;
	s5 =	simm.s32 $0x1C00;
	[smem:$0x7CF] =	sst s4  }
0x4c: {  	s20 =	simm.s32 $0xB800;
	s12 =	simm.s32 $0x1400;
	[smem:$0x7E6] =	sst s5  }
0x4d: {  	s18 =	simm.s32 $0xD800;
	s13 =	simm.s32 $0x1480;
	[smem:$0x7D6] =	sst s12  }
0x4e: {  	s19 =	simm.s32 $0xE800;
	s14 =	simm.s32 $0x1500;
	[smem:$0x7D7] =	sst s13  }
0x4f: {  	s21 =	simm.s32 $0xF800;
	s15 =	simm.s32 $0x1580;
	[smem:$0x7D8] =	sst s14  }
0x50: {  	s23 =	simm.s32 $0x10800;
	s16 =	simm.s32 $0x1600;
	[smem:$0x7D9] =	sst s15  }
0x51: {  	s24 =	simm.s32 $0x11800;
	s17 =	simm.s32 $0x1680;
	[smem:$0x7DA] =	sst s16  }
0x52: {  	s25 =	simm.s32 $0x12800;
	s4 =	simm.s32 $0x1B80;
	[smem:$0x7DB] =	sst s17  }
0x53: {  	p1 =	sne.s32 s1, $0x1;
	[smem:$0x7E5] =	sst s4;
	s12 =	simm.s32 $0x1E80  }
0x54: {  	s1 =	sadd.s32 $0xFFFFFFFF, s1;
	s13 =	simm.s32 $0x1F00;
	[smem:$0x7EB] =	sst s12  }
0x55: {  	s26 =	simm.s32 $0x1;
	s14 =	simm.s32 $0x1F80;
	[smem:$0x7EC] =	sst s13  }
0x56: {  	s22 =	simm.s32 $0x2;
	s15 =	simm.s32 $0x2000;
	[smem:$0x7ED] =	sst s14  }
0x57: {  	s5 =	simm.s32 $0x80;
	s16 =	simm.s32 $0x2080;
	[smem:$0x7EE] =	sst s15  }
.Ltmp0:
0x58: {  	s17 =	simm.s32 $0x2100;
	[smem:$0x7EF] =	sst s16;
	(pc) =	sbr.rel @!p1 .LBB2_5-.Ltmp0, $4  }
0x59: {  	s4 =	simm.s32 $0x2800;
	[smem:$0x7F0] =	sst s17;
	s12 =	simm.s32 $0x7800  }
0x5a: {  	s14 =	simm.s32 $0x8800;
	s15 =	simm.s32 $0x9800;
	s13 =	simm.s32 $0x2600  }
0x5b: {  	s17 =	simm.s32 $0xA800;
	s16 =	simm.s32 $0x2680;
	[smem:$0x7FA] =	sst s13  }
0x5c: {  	[smem:$0x7FB] =	sst s16;
	s16 =	simm.s32 $0x3;
	s13 =	simm.s32 $0x4  }
0x5d: {  	[tilespmem:s2], [sflag:$0x5] =	stream.linear.gather [hbm4b:s0+s2], $0x2800, $0x38;
	[tilespmem:$0x16800] =	vst v63  }
0x5e: {  	_ =	swait.ge [sflag:s31], $0x2800  }
0x5f: {  	[sflag:s31] =	ssyncset.done $0x0  }
0x60: {  	[sflag:s31] =	ssyncadd.s32 $0xFFFFD800  }
0x61: {  	[tilespmem:s4], [sflag:$0x1] =	stream.indirect.gather [hbm4b:s3+s5], $0x20, s2, s5, $0xb8;
	[tilespmem:$0x16800] =	vst v63  }
0x62: {  	_ = 	snop  }
0x63: {  	[tilespmem:s8], [sflag:$0x1] =	stream.indirect.gather [hbm4b:s3+s5], $0x20, s5, s5, $0xb8;
	[tilespmem:$0x16800] =	vst v63  }
0x64: {  	s0 =	rddreg [dreg:$0xc]  }
0x65: {  	[tilespmem:s9], [sflag:$0x1] =	stream.indirect.gather [hbm4b:s3+s5], $0x20, s0, s5, $0xb8;
	[tilespmem:$0x16800] =	vst v63  }
0x66: {  	s31 =	smov.u32 s1;
	s1 =	rddreg [dreg:$0xd]  }
0x67: {  	[tilespmem:s10], [sflag:$0x1] =	stream.indirect.gather [hbm4b:s3+s5], $0x20, s1, s5, $0xb8;
	[tilespmem:$0x16800] =	vst v63  }
0x68: {  	s0 =	rddreg [dreg:$0xe]  }
0x69: {  	[tilespmem:s11], [sflag:$0x1] =	stream.indirect.gather [hbm4b:s3+s5], $0x20, s0, s5, $0xb8;
	[tilespmem:$0x16800] =	vst v63  }
0x6a: {  	s1 =	rddreg [dreg:$0xf]  }
0x6b: {  	[tilespmem:s12], [sflag:$0x1] =	stream.indirect.gather [hbm4b:s3+s5], $0x20, s1, s5, $0xb8;
	[tilespmem:$0x16800] =	vst v63  }
0x6c: {  	s0 =	rddreg [dreg:$0x10]  }
0x6d: {  	[tilespmem:s14], [sflag:$0x1] =	stream.indirect.gather [hbm4b:s3+s5], $0x20, s0, s5, $0xb8;
	[tilespmem:$0x16800] =	vst v63  }
0x6e: {  	s1 =	rddreg [dreg:$0x11]  }
0x6f: {  	[tilespmem:s15], [sflag:$0x1] =	stream.indirect.gather [hbm4b:s3+s5], $0x20, s1, s5, $0xb8;
	[tilespmem:$0x16800] =	vst v63  }
0x70: {  	s0 =	rddreg [dreg:$0x12]  }
0x71: {  	[tilespmem:s17], [sflag:$0x1] =	stream.indirect.gather [hbm4b:s3+s5], $0x20, s0, s5, $0xb8;
	[tilespmem:$0x16800] =	vst v63  }
0x72: {  	s1 =	rddreg [dreg:$0x13]  }
0x73: {  	[tilespmem:s20], [sflag:$0x1] =	stream.indirect.gather [hbm4b:s3+s5], $0x20, s1, s5, $0xb8;
	[tilespmem:$0x16800] =	vst v63  }
0x74: {  	s0 =	rddreg [dreg:$0x14]  }
0x75: {  	[tilespmem:s7], [sflag:$0x2] =	stream.indirect.gather [hbm4b:s3+s5], $0x20, s0, s5, $0xb8;
	[tilespmem:$0x16800] =	vst v63  }
0x76: {  	s1 =	rddreg [dreg:$0x15]  }
0x77: {  	[tilespmem:s18], [sflag:$0x2] =	stream.indirect.gather [hbm4b:s3+s5], $0x20, s1, s5, $0xb8;
	[tilespmem:$0x16800] =	vst v63  }
0x78: {  	s0 =	rddreg [dreg:$0x16]  }
0x79: {  	[tilespmem:s19], [sflag:$0x2] =	stream.indirect.gather [hbm4b:s3+s5], $0x20, s0, s5, $0xb8;
	[tilespmem:$0x16800] =	vst v63  }
0x7a: {  	s1 =	rddreg [dreg:$0x17]  }
0x7b: {  	[tilespmem:s21], [sflag:$0x2] =	stream.indirect.gather [hbm4b:s3+s5], $0x20, s1, s5, $0xb8;
	[tilespmem:$0x16800] =	vst v63  }
0x7c: {  	s0 =	rddreg [dreg:$0x18]  }
0x7d: {  	[tilespmem:s23], [sflag:$0x2] =	stream.indirect.gather [hbm4b:s3+s5], $0x20, s0, s5, $0xb8;
	[tilespmem:$0x16800] =	vst v63  }
0x7e: {  	s1 =	rddreg [dreg:$0x19]  }
0x7f: {  	[tilespmem:s24], [sflag:$0x2] =	stream.indirect.gather [hbm4b:s3+s5], $0x20, s1, s5, $0xb8;
	[tilespmem:$0x16800] =	vst v63  }
0x80: {  	s0 =	rddreg [dreg:$0x1a]  }
0x81: {  	[tilespmem:s25], [sflag:$0x2] =	stream.indirect.gather [hbm4b:s3+s5], $0x20, s0, s5, $0xb8;
	[tilespmem:$0x16800] =	vst v63  }
0x82: {  	s1 =	rddreg [dreg:$0x1b]  }
0x83: {  	[tilespmem:s28], [sflag:$0x2] =	stream.indirect.gather [hbm4b:s3+s5], $0x20, s1, s5, $0xb8;
	[tilespmem:$0x16800] =	vst v63  }
0x84: {  	s0 =	rddreg [dreg:$0x1c]  }
0x85: {  	[tilespmem:s29], [sflag:$0x2] =	stream.indirect.gather [hbm4b:s3+s5], $0x20, s0, s5, $0xb8;
	[tilespmem:$0x16800] =	vst v63  }
0x86: {  	s1 =	rddreg [dreg:$0x1d]  }
0x87: {  	[tilespmem:s30], [sflag:$0x2] =	stream.indirect.gather [hbm4b:s3+s5], $0x20, s1, s5, $0xb8;
	[tilespmem:$0x16800] =	vst v63  }
0x88: {  	_ =	swait.ge [sflag:s26], $0xA000  }
0x89: {  	[sflag:s26] =	ssyncset.done $0x0  }
0x8a: {  	[sflag:s26] =	ssyncadd.s32 $0xFFFF6000  }
0x8b: {  	[hbm4b:s6+s2] =	stream.linear.scatter [tilespmem:s4], [sflag:$0x3], $0xA000, $0x38;
	[tilespmem:$0x16800] =	vst v63  }
0x8c: {  	_ =	swait.ge [sflag:s22], $0xA000  }
0x8d: {  	[sflag:s22] =	ssyncset.done $0x0  }
0x8e: {  	s1 =	rddreg [dreg:$0x5];
	[sflag:s22] =	ssyncadd.s32 $0xFFFF6000  }
0x8f: {  	[hbm4b:s1+s2] =	stream.linear.scatter [tilespmem:s7], [sflag:$0x4], $0xA000, $0x38;
	[tilespmem:$0x16800] =	vst v63  }
0x90: {  	_ =	swait.ge [sflag:s16], $0xA000  }
0x91: {  	s0 =	rddreg [dreg:$0x1e];
	[sflag:s16] =	ssyncset.done $0x0  }
0x92: {  	s1 =	rddreg [dreg:$0x1f];
	[sflag:s16] =	ssyncadd.s32 $0xFFFF6000  }
0x93: {  	[tilespmem:s4], [sflag:$0x1] =	stream.indirect.gather [hbm4b:s3+s5], $0x20, s0, s5, $0xb8;
	[tilespmem:$0x16800] =	vst v63  }
0x94: {  	s0 =	sld [smem:$0x7C4]  }
0x95: {  	[tilespmem:s8], [sflag:$0x1] =	stream.indirect.gather [hbm4b:s3+s5], $0x20, s1, s5, $0xb8;
	[tilespmem:$0x16800] =	vst v63  }
0x96: {  	s1 =	sld [smem:$0x7C5]  }
0x97: {  	[tilespmem:s9], [sflag:$0x1] =	stream.indirect.gather [hbm4b:s3+s5], $0x20, s0, s5, $0xb8;
	[tilespmem:$0x16800] =	vst v63  }
0x98: {  	s0 =	sld [smem:$0x7C6]  }
0x99: {  	[tilespmem:s10], [sflag:$0x1] =	stream.indirect.gather [hbm4b:s3+s5], $0x20, s1, s5, $0xb8;
	[tilespmem:$0x16800] =	vst v63  }
0x9a: {  	s1 =	sld [smem:$0x7C7]  }
0x9b: {  	[tilespmem:s11], [sflag:$0x1] =	stream.indirect.gather [hbm4b:s3+s5], $0x20, s0, s5, $0xb8;
	[tilespmem:$0x16800] =	vst v63  }
0x9c: {  	s0 =	sld [smem:$0x7C8]  }
0x9d: {  	[tilespmem:s12], [sflag:$0x1] =	stream.indirect.gather [hbm4b:s3+s5], $0x20, s1, s5, $0xb8;
	[tilespmem:$0x16800] =	vst v63  }
0x9e: {  	s1 =	sld [smem:$0x7C9]  }
0x9f: {  	[tilespmem:s14], [sflag:$0x1] =	stream.indirect.gather [hbm4b:s3+s5], $0x20, s0, s5, $0xb8;
	[tilespmem:$0x16800] =	vst v63  }
0xa0: {  	s0 =	sld [smem:$0x7CA]  }
0xa1: {  	[tilespmem:s15], [sflag:$0x1] =	stream.indirect.gather [hbm4b:s3+s5], $0x20, s1, s5, $0xb8;
	[tilespmem:$0x16800] =	vst v63  }
0xa2: {  	s1 =	sld [smem:$0x7CB]  }
0xa3: {  	[tilespmem:s17], [sflag:$0x1] =	stream.indirect.gather [hbm4b:s3+s5], $0x20, s0, s5, $0xb8;
	[tilespmem:$0x16800] =	vst v63  }
0xa4: {  	_ = 	snop  }
0xa5: {  	[tilespmem:s20], [sflag:$0x1] =	stream.indirect.gather [hbm4b:s3+s5], $0x20, s1, s5, $0xb8;
	[tilespmem:$0x16800] =	vst v63  }
0xa6: {  	_ =	swait.ge [sflag:s13], $0xA000  }
0xa7: {  	s0 =	sld [smem:$0x7CC]  }
0xa8: {  	[sflag:s13] =	ssyncset.done $0x0  }
0xa9: {  	s1 =	sld [smem:$0x7CD];
	[sflag:s13] =	ssyncadd.s32 $0xFFFF6000  }
0xaa: {  	[tilespmem:s7], [sflag:$0x2] =	stream.indirect.gather [hbm4b:s3+s5], $0x20, s0, s5, $0xb8;
	[tilespmem:$0x16800] =	vst v63  }
0xab: {  	s0 =	sld [smem:$0x7CE]  }
0xac: {  	[tilespmem:s18], [sflag:$0x2] =	stream.indirect.gather [hbm4b:s3+s5], $0x20, s1, s5, $0xb8;
	[tilespmem:$0x16800] =	vst v63  }
0xad: {  	s1 =	sld [smem:$0x7CF]  }
0xae: {  	[tilespmem:s19], [sflag:$0x2] =	stream.indirect.gather [hbm4b:s3+s5], $0x20, s0, s5, $0xb8;
	[tilespmem:$0x16800] =	vst v63  }
0xaf: {  	s0 =	sld [smem:$0x7D0]  }
0xb0: {  	[tilespmem:s21], [sflag:$0x2] =	stream.indirect.gather [hbm4b:s3+s5], $0x20, s1, s5, $0xb8;
	[tilespmem:$0x16800] =	vst v63  }
0xb1: {  	s1 =	sld [smem:$0x7D1]  }
0xb2: {  	[tilespmem:s23], [sflag:$0x2] =	stream.indirect.gather [hbm4b:s3+s5], $0x20, s0, s5, $0xb8;
	[tilespmem:$0x16800] =	vst v63  }
0xb3: {  	s0 =	sld [smem:$0x7D2]  }
0xb4: {  	[tilespmem:s24], [sflag:$0x2] =	stream.indirect.gather [hbm4b:s3+s5], $0x20, s1, s5, $0xb8;
	[tilespmem:$0x16800] =	vst v63  }
0xb5: {  	s1 =	sld [smem:$0x7D3]  }
0xb6: {  	[tilespmem:s25], [sflag:$0x2] =	stream.indirect.gather [hbm4b:s3+s5], $0x20, s0, s5, $0xb8;
	[tilespmem:$0x16800] =	vst v63  }
0xb7: {  	s0 =	sld [smem:$0x7D4]  }
0xb8: {  	[tilespmem:s28], [sflag:$0x2] =	stream.indirect.gather [hbm4b:s3+s5], $0x20, s1, s5, $0xb8;
	[tilespmem:$0x16800] =	vst v63  }
0xb9: {  	s1 =	sld [smem:$0x7D5]  }
0xba: {  	[tilespmem:s29], [sflag:$0x2] =	stream.indirect.gather [hbm4b:s3+s5], $0x20, s0, s5, $0xb8;
	[tilespmem:$0x16800] =	vst v63  }
0xbb: {  	_ = 	snop  }
0xbc: {  	[tilespmem:s30], [sflag:$0x2] =	stream.indirect.gather [hbm4b:s3+s5], $0x20, s1, s5, $0xb8;
	[tilespmem:$0x16800] =	vst v63  }
0xbd: {  	_ =	swait.ge [sflag:s26], $0xA000  }
0xbe: {  	[sflag:s26] =	ssyncset.done $0x0  }
0xbf: {  	s1 =	rddreg [dreg:$0x6];
	[sflag:s26] =	ssyncadd.s32 $0xFFFF6000  }
0xc0: {  	[hbm4b:s1+s2] =	stream.linear.scatter [tilespmem:s4], [sflag:$0x3], $0xA000, $0x38;
	[tilespmem:$0x16800] =	vst v63  }
0xc1: {  	_ =	swait.ge [sflag:s22], $0xA000  }
0xc2: {  	[sflag:s22] =	ssyncset.done $0x0  }
0xc3: {  	s1 =	rddreg [dreg:$0x7];
	[sflag:s22] =	ssyncadd.s32 $0xFFFF6000  }
0xc4: {  	[hbm4b:s1+s2] =	stream.linear.scatter [tilespmem:s7], [sflag:$0x4], $0xA000, $0x38;
	[tilespmem:$0x16800] =	vst v63  }
0xc5: {  	_ =	swait.ge [sflag:s16], $0xA000  }
0xc6: {  	s0 =	sld [smem:$0x7D6]  }
0xc7: {  	[sflag:s16] =	ssyncset.done $0x0  }
0xc8: {  	s1 =	sld [smem:$0x7D7];
	[sflag:s16] =	ssyncadd.s32 $0xFFFF6000  }
0xc9: {  	[tilespmem:s4], [sflag:$0x1] =	stream.indirect.gather [hbm4b:s3+s5], $0x20, s0, s5, $0xb8;
	[tilespmem:$0x16800] =	vst v63  }
0xca: {  	s0 =	sld [smem:$0x7D8]  }
0xcb: {  	[tilespmem:s8], [sflag:$0x1] =	stream.indirect.gather [hbm4b:s3+s5], $0x20, s1, s5, $0xb8;
	[tilespmem:$0x16800] =	vst v63  }
0xcc: {  	s1 =	sld [smem:$0x7D9]  }
0xcd: {  	[tilespmem:s9], [sflag:$0x1] =	stream.indirect.gather [hbm4b:s3+s5], $0x20, s0, s5, $0xb8;
	[tilespmem:$0x16800] =	vst v63  }
0xce: {  	s0 =	sld [smem:$0x7DA]  }
0xcf: {  	[tilespmem:s10], [sflag:$0x1] =	stream.indirect.gather [hbm4b:s3+s5], $0x20, s1, s5, $0xb8;
	[tilespmem:$0x16800] =	vst v63  }
0xd0: {  	s1 =	sld [smem:$0x7DB]  }
0xd1: {  	[tilespmem:s11], [sflag:$0x1] =	stream.indirect.gather [hbm4b:s3+s5], $0x20, s0, s5, $0xb8;
	[tilespmem:$0x16800] =	vst v63  }
0xd2: {  	s0 =	sld [smem:$0x7DC]  }
0xd3: {  	[tilespmem:s12], [sflag:$0x1] =	stream.indirect.gather [hbm4b:s3+s5], $0x20, s1, s5, $0xb8;
	[tilespmem:$0x16800] =	vst v63  }
0xd4: {  	s1 =	sld [smem:$0x7DD]  }
0xd5: {  	[tilespmem:s14], [sflag:$0x1] =	stream.indirect.gather [hbm4b:s3+s5], $0x20, s0, s5, $0xb8;
	[tilespmem:$0x16800] =	vst v63  }
0xd6: {  	s0 =	sld [smem:$0x7DE]  }
0xd7: {  	[tilespmem:s15], [sflag:$0x1] =	stream.indirect.gather [hbm4b:s3+s5], $0x20, s1, s5, $0xb8;
	[tilespmem:$0x16800] =	vst v63  }
0xd8: {  	s1 =	sld [smem:$0x7DF]  }
0xd9: {  	[tilespmem:s17], [sflag:$0x1] =	stream.indirect.gather [hbm4b:s3+s5], $0x20, s0, s5, $0xb8;
	[tilespmem:$0x16800] =	vst v63  }
0xda: {  	_ = 	snop  }
0xdb: {  	[tilespmem:s20], [sflag:$0x1] =	stream.indirect.gather [hbm4b:s3+s5], $0x20, s1, s5, $0xb8;
	[tilespmem:$0x16800] =	vst v63  }
0xdc: {  	_ =	swait.ge [sflag:s13], $0xA000  }
0xdd: {  	s0 =	sld [smem:$0x7E0]  }
0xde: {  	[sflag:s13] =	ssyncset.done $0x0  }
0xdf: {  	s1 =	sld [smem:$0x7E1];
	[sflag:s13] =	ssyncadd.s32 $0xFFFF6000  }
0xe0: {  	[tilespmem:s7], [sflag:$0x2] =	stream.indirect.gather [hbm4b:s3+s5], $0x20, s0, s5, $0xb8;
	[tilespmem:$0x16800] =	vst v63  }
0xe1: {  	s0 =	sld [smem:$0x7E2]  }
0xe2: {  	[tilespmem:s18], [sflag:$0x2] =	stream.indirect.gather [hbm4b:s3+s5], $0x20, s1, s5, $0xb8;
	[tilespmem:$0x16800] =	vst v63  }
0xe3: {  	s1 =	sld [smem:$0x7E3]  }
0xe4: {  	[tilespmem:s19], [sflag:$0x2] =	stream.indirect.gather [hbm4b:s3+s5], $0x20, s0, s5, $0xb8;
	[tilespmem:$0x16800] =	vst v63  }
0xe5: {  	s0 =	sld [smem:$0x7E4]  }
0xe6: {  	[tilespmem:s21], [sflag:$0x2] =	stream.indirect.gather [hbm4b:s3+s5], $0x20, s1, s5, $0xb8;
	[tilespmem:$0x16800] =	vst v63  }
0xe7: {  	s1 =	sld [smem:$0x7E5]  }
0xe8: {  	[tilespmem:s23], [sflag:$0x2] =	stream.indirect.gather [hbm4b:s3+s5], $0x20, s0, s5, $0xb8;
	[tilespmem:$0x16800] =	vst v63  }
0xe9: {  	s0 =	sld [smem:$0x7E6]  }
0xea: {  	[tilespmem:s24], [sflag:$0x2] =	stream.indirect.gather [hbm4b:s3+s5], $0x20, s1, s5, $0xb8;
	[tilespmem:$0x16800] =	vst v63  }
0xeb: {  	s1 =	sld [smem:$0x7E7]  }
0xec: {  	[tilespmem:s25], [sflag:$0x2] =	stream.indirect.gather [hbm4b:s3+s5], $0x20, s0, s5, $0xb8;
	[tilespmem:$0x16800] =	vst v63  }
0xed: {  	s0 =	sld [smem:$0x7E8]  }
0xee: {  	[tilespmem:s28], [sflag:$0x2] =	stream.indirect.gather [hbm4b:s3+s5], $0x20, s1, s5, $0xb8;
	[tilespmem:$0x16800] =	vst v63  }
0xef: {  	s1 =	sld [smem:$0x7E9]  }
0xf0: {  	[tilespmem:s29], [sflag:$0x2] =	stream.indirect.gather [hbm4b:s3+s5], $0x20, s0, s5, $0xb8;
	[tilespmem:$0x16800] =	vst v63  }
0xf1: {  	_ = 	snop  }
0xf2: {  	[tilespmem:s30], [sflag:$0x2] =	stream.indirect.gather [hbm4b:s3+s5], $0x20, s1, s5, $0xb8;
	[tilespmem:$0x16800] =	vst v63  }
0xf3: {  	_ =	swait.ge [sflag:s26], $0xA000  }
0xf4: {  	[sflag:s26] =	ssyncset.done $0x0  }
0xf5: {  	s1 =	rddreg [dreg:$0x8];
	[sflag:s26] =	ssyncadd.s32 $0xFFFF6000  }
0xf6: {  	[hbm4b:s1+s2] =	stream.linear.scatter [tilespmem:s4], [sflag:$0x3], $0xA000, $0x38;
	[tilespmem:$0x16800] =	vst v63  }
0xf7: {  	_ =	swait.ge [sflag:s22], $0xA000  }
0xf8: {  	[sflag:s22] =	ssyncset.done $0x0  }
0xf9: {  	s1 =	rddreg [dreg:$0x9];
	[sflag:s22] =	ssyncadd.s32 $0xFFFF6000  }
0xfa: {  	[hbm4b:s1+s2] =	stream.linear.scatter [tilespmem:s7], [sflag:$0x4], $0xA000, $0x38;
	[tilespmem:$0x16800] =	vst v63  }
0xfb: {  	_ =	swait.ge [sflag:s16], $0xA000  }
0xfc: {  	s0 =	sld [smem:$0x7EA]  }
0xfd: {  	[sflag:s16] =	ssyncset.done $0x0  }
0xfe: {  	s1 =	sld [smem:$0x7EB];
	[sflag:s16] =	ssyncadd.s32 $0xFFFF6000  }
0xff: {  	[tilespmem:s4], [sflag:$0x1] =	stream.indirect.gather [hbm4b:s3+s5], $0x20, s0, s5, $0xb8;
	[tilespmem:$0x16800] =	vst v63  }
0x100: {  	s0 =	sld [smem:$0x7EC]  }
0x101: {  	[tilespmem:s8], [sflag:$0x1] =	stream.indirect.gather [hbm4b:s3+s5], $0x20, s1, s5, $0xb8;
	[tilespmem:$0x16800] =	vst v63  }
0x102: {  	s1 =	sld [smem:$0x7ED]  }
0x103: {  	[tilespmem:s9], [sflag:$0x1] =	stream.indirect.gather [hbm4b:s3+s5], $0x20, s0, s5, $0xb8;
	[tilespmem:$0x16800] =	vst v63  }
0x104: {  	s0 =	sld [smem:$0x7EE]  }
0x105: {  	[tilespmem:s10], [sflag:$0x1] =	stream.indirect.gather [hbm4b:s3+s5], $0x20, s1, s5, $0xb8;
	[tilespmem:$0x16800] =	vst v63  }
0x106: {  	s1 =	sld [smem:$0x7EF]  }
0x107: {  	[tilespmem:s11], [sflag:$0x1] =	stream.indirect.gather [hbm4b:s3+s5], $0x20, s0, s5, $0xb8;
	[tilespmem:$0x16800] =	vst v63  }
0x108: {  	s0 =	sld [smem:$0x7F0]  }
0x109: {  	[tilespmem:s12], [sflag:$0x1] =	stream.indirect.gather [hbm4b:s3+s5], $0x20, s1, s5, $0xb8;
	[tilespmem:$0x16800] =	vst v63  }
0x10a: {  	s1 =	sld [smem:$0x7F1]  }
0x10b: {  	[tilespmem:s14], [sflag:$0x1] =	stream.indirect.gather [hbm4b:s3+s5], $0x20, s0, s5, $0xb8;
	[tilespmem:$0x16800] =	vst v63  }
0x10c: {  	s0 =	sld [smem:$0x7F2]  }
0x10d: {  	[tilespmem:s15], [sflag:$0x1] =	stream.indirect.gather [hbm4b:s3+s5], $0x20, s1, s5, $0xb8;
	[tilespmem:$0x16800] =	vst v63  }
0x10e: {  	s1 =	sld [smem:$0x7F3]  }
0x10f: {  	[tilespmem:s17], [sflag:$0x1] =	stream.indirect.gather [hbm4b:s3+s5], $0x20, s0, s5, $0xb8;
	[tilespmem:$0x16800] =	vst v63  }
0x110: {  	_ = 	snop  }
0x111: {  	[tilespmem:s20], [sflag:$0x1] =	stream.indirect.gather [hbm4b:s3+s5], $0x20, s1, s5, $0xb8;
	[tilespmem:$0x16800] =	vst v63  }
0x112: {  	_ =	swait.ge [sflag:s13], $0xA000  }
0x113: {  	s0 =	sld [smem:$0x7F4]  }
0x114: {  	[sflag:s13] =	ssyncset.done $0x0  }
0x115: {  	s1 =	sld [smem:$0x7F5];
	[sflag:s13] =	ssyncadd.s32 $0xFFFF6000  }
0x116: {  	[tilespmem:s7], [sflag:$0x2] =	stream.indirect.gather [hbm4b:s3+s5], $0x20, s0, s5, $0xb8;
	[tilespmem:$0x16800] =	vst v63  }
0x117: {  	s0 =	sld [smem:$0x7F6]  }
0x118: {  	[tilespmem:s18], [sflag:$0x2] =	stream.indirect.gather [hbm4b:s3+s5], $0x20, s1, s5, $0xb8;
	[tilespmem:$0x16800] =	vst v63  }
0x119: {  	s1 =	sld [smem:$0x7F7]  }
0x11a: {  	[tilespmem:s19], [sflag:$0x2] =	stream.indirect.gather [hbm4b:s3+s5], $0x20, s0, s5, $0xb8;
	[tilespmem:$0x16800] =	vst v63  }
0x11b: {  	s0 =	sld [smem:$0x7F8]  }
0x11c: {  	[tilespmem:s21], [sflag:$0x2] =	stream.indirect.gather [hbm4b:s3+s5], $0x20, s1, s5, $0xb8;
	[tilespmem:$0x16800] =	vst v63  }
0x11d: {  	s1 =	sld [smem:$0x7F9]  }
0x11e: {  	[tilespmem:s23], [sflag:$0x2] =	stream.indirect.gather [hbm4b:s3+s5], $0x20, s0, s5, $0xb8;
	[tilespmem:$0x16800] =	vst v63  }
0x11f: {  	s0 =	sld [smem:$0x7FA]  }
0x120: {  	[tilespmem:s24], [sflag:$0x2] =	stream.indirect.gather [hbm4b:s3+s5], $0x20, s1, s5, $0xb8;
	[tilespmem:$0x16800] =	vst v63  }
0x121: {  	s1 =	sld [smem:$0x7FB]  }
0x122: {  	[tilespmem:s25], [sflag:$0x2] =	stream.indirect.gather [hbm4b:s3+s5], $0x20, s0, s5, $0xb8;
	[tilespmem:$0x16800] =	vst v63  }
0x123: {  	s0 =	sld [smem:$0x7FC]  }
0x124: {  	[tilespmem:s28], [sflag:$0x2] =	stream.indirect.gather [hbm4b:s3+s5], $0x20, s1, s5, $0xb8;
	[tilespmem:$0x16800] =	vst v63  }
0x125: {  	s1 =	sld [smem:$0x7FD]  }
0x126: {  	[tilespmem:s29], [sflag:$0x2] =	stream.indirect.gather [hbm4b:s3+s5], $0x20, s0, s5, $0xb8;
	[tilespmem:$0x16800] =	vst v63  }
0x127: {  	_ = 	snop  }
0x128: {  	[tilespmem:s30], [sflag:$0x2] =	stream.indirect.gather [hbm4b:s3+s5], $0x20, s1, s5, $0xb8;
	[tilespmem:$0x16800] =	vst v63  }
0x129: {  	_ =	swait.ge [sflag:s26], $0xA000  }
0x12a: {  	[sflag:s26] =	ssyncset.done $0x0  }
0x12b: {  	s1 =	rddreg [dreg:$0xa];
	[sflag:s26] =	ssyncadd.s32 $0xFFFF6000  }
0x12c: {  	[hbm4b:s1+s2] =	stream.linear.scatter [tilespmem:s4], [sflag:$0x3], $0xA000, $0x38;
	[tilespmem:$0x16800] =	vst v63  }
0x12d: {  	_ =	swait.ge [sflag:s22], $0xA000  }
0x12e: {  	[sflag:s22] =	ssyncset.done $0x0  }
0x12f: {  	s1 =	rddreg [dreg:$0xb];
	[sflag:s22] =	ssyncadd.s32 $0xFFFF6000  }
0x130: {  	[hbm4b:s1+s2] =	stream.linear.scatter [tilespmem:s7], [sflag:$0x4], $0xA000, $0x38;
	[tilespmem:$0x16800] =	vst v63  }
0x131: {  	p1 =	sne.s32 s31, $0x1;
	_ =	swait.ge [sflag:s16], $0xA000  }
.Ltmp1:
0x132: {  	[sflag:s16] =	ssyncset.done $0x0;
	(pc) =	sbr.rel @!p1 .LBB2_2-.Ltmp1, $4  }
0x133: {  	[sflag:s16] =	ssyncadd.s32 $0xFFFF6000  }
0x134: {  	_ =	swait.ge [sflag:s13], $0xA000  }
0x135: {  	p0 =	por $0x1, $0x1;
	s1 =	sadd.s32 $0xFFFFFFFF, s31;
	s0 =	rddreg [dreg:$0x4]  }
0x136: {  	s31 =	simm.s32 $0x5;
	[sflag:s13] =	ssyncset.done $0x0;
	[smem:$0x7C3] =	sst s6  }
.LBB2_3:
0x137: {  	[sflag:s13] =	ssyncadd.s32 $0xFFFF6000  }
0x138: {  	[tilespmem:s2], [sflag:$0x5] =	stream.linear.gather [hbm4b:s0+s2], $0x2800, $0x38;
	[tilespmem:$0x16800] =	vst v63  }
0x139: {  	_ =	swait.ge [sflag:s31], $0x2800  }
0x13a: {  	[sflag:s31] =	ssyncset.done $0x0  }
0x13b: {  	[sflag:s31] =	ssyncadd.s32 $0xFFFFD800  }
0x13c: {  	[tilespmem:s4], [sflag:$0x1] =	stream.indirect.gather [hbm4b:s3+s5], $0x20, s2, s5, $0xb8;
	[tilespmem:$0x16800] =	vst v63  }
0x13d: {  	_ = 	snop  }
0x13e: {  	[tilespmem:s8], [sflag:$0x1] =	stream.indirect.gather [hbm4b:s3+s5], $0x20, s5, s5, $0xb8;
	[tilespmem:$0x16800] =	vst v63  }
0x13f: {  	s0 =	rddreg [dreg:$0xc]  }
0x140: {  	[tilespmem:s9], [sflag:$0x1] =	stream.indirect.gather [hbm4b:s3+s5], $0x20, s0, s5, $0xb8;
	[tilespmem:$0x16800] =	vst v63  }
0x141: {  	s6 =	rddreg [dreg:$0xd]  }
0x142: {  	[tilespmem:s10], [sflag:$0x1] =	stream.indirect.gather [hbm4b:s3+s5], $0x20, s6, s5, $0xb8;
	[tilespmem:$0x16800] =	vst v63  }
0x143: {  	s0 =	rddreg [dreg:$0xe]  }
0x144: {  	[tilespmem:s11], [sflag:$0x1] =	stream.indirect.gather [hbm4b:s3+s5], $0x20, s0, s5, $0xb8;
	[tilespmem:$0x16800] =	vst v63  }
0x145: {  	s6 =	rddreg [dreg:$0xf]  }
0x146: {  	[tilespmem:s12], [sflag:$0x1] =	stream.indirect.gather [hbm4b:s3+s5], $0x20, s6, s5, $0xb8;
	[tilespmem:$0x16800] =	vst v63  }
0x147: {  	s0 =	rddreg [dreg:$0x10]  }
0x148: {  	[tilespmem:s14], [sflag:$0x1] =	stream.indirect.gather [hbm4b:s3+s5], $0x20, s0, s5, $0xb8;
	[tilespmem:$0x16800] =	vst v63  }
0x149: {  	s6 =	rddreg [dreg:$0x11]  }
0x14a: {  	[tilespmem:s15], [sflag:$0x1] =	stream.indirect.gather [hbm4b:s3+s5], $0x20, s6, s5, $0xb8;
	[tilespmem:$0x16800] =	vst v63  }
0x14b: {  	s0 =	rddreg [dreg:$0x12]  }
0x14c: {  	[tilespmem:s17], [sflag:$0x1] =	stream.indirect.gather [hbm4b:s3+s5], $0x20, s0, s5, $0xb8;
	[tilespmem:$0x16800] =	vst v63  }
0x14d: {  	s6 =	rddreg [dreg:$0x13]  }
0x14e: {  	[tilespmem:s20], [sflag:$0x1] =	stream.indirect.gather [hbm4b:s3+s5], $0x20, s6, s5, $0xb8;
	[tilespmem:$0x16800] =	vst v63  }
0x14f: {  	s0 =	rddreg [dreg:$0x14]  }
0x150: {  	[tilespmem:s7], [sflag:$0x2] =	stream.indirect.gather [hbm4b:s3+s5], $0x20, s0, s5, $0xb8;
	[tilespmem:$0x16800] =	vst v63  }
0x151: {  	s6 =	rddreg [dreg:$0x15]  }
0x152: {  	[tilespmem:s18], [sflag:$0x2] =	stream.indirect.gather [hbm4b:s3+s5], $0x20, s6, s5, $0xb8;
	[tilespmem:$0x16800] =	vst v63  }
0x153: {  	s0 =	rddreg [dreg:$0x16]  }
0x154: {  	[tilespmem:s19], [sflag:$0x2] =	stream.indirect.gather [hbm4b:s3+s5], $0x20, s0, s5, $0xb8;
	[tilespmem:$0x16800] =	vst v63  }
0x155: {  	s6 =	rddreg [dreg:$0x17]  }
0x156: {  	[tilespmem:s21], [sflag:$0x2] =	stream.indirect.gather [hbm4b:s3+s5], $0x20, s6, s5, $0xb8;
	[tilespmem:$0x16800] =	vst v63  }
0x157: {  	s0 =	rddreg [dreg:$0x18]  }
0x158: {  	[tilespmem:s23], [sflag:$0x2] =	stream.indirect.gather [hbm4b:s3+s5], $0x20, s0, s5, $0xb8;
	[tilespmem:$0x16800] =	vst v63  }
0x159: {  	s6 =	rddreg [dreg:$0x19]  }
0x15a: {  	[tilespmem:s24], [sflag:$0x2] =	stream.indirect.gather [hbm4b:s3+s5], $0x20, s6, s5, $0xb8;
	[tilespmem:$0x16800] =	vst v63  }
0x15b: {  	s0 =	rddreg [dreg:$0x1a]  }
0x15c: {  	[tilespmem:s25], [sflag:$0x2] =	stream.indirect.gather [hbm4b:s3+s5], $0x20, s0, s5, $0xb8;
	[tilespmem:$0x16800] =	vst v63  }
0x15d: {  	s6 =	rddreg [dreg:$0x1b]  }
0x15e: {  	[tilespmem:s28], [sflag:$0x2] =	stream.indirect.gather [hbm4b:s3+s5], $0x20, s6, s5, $0xb8;
	[tilespmem:$0x16800] =	vst v63  }
0x15f: {  	s0 =	rddreg [dreg:$0x1c]  }
0x160: {  	[tilespmem:s29], [sflag:$0x2] =	stream.indirect.gather [hbm4b:s3+s5], $0x20, s0, s5, $0xb8;
	[tilespmem:$0x16800] =	vst v63  }
0x161: {  	s6 =	rddreg [dreg:$0x1d]  }
0x162: {  	[tilespmem:s30], [sflag:$0x2] =	stream.indirect.gather [hbm4b:s3+s5], $0x20, s6, s5, $0xb8;
	[tilespmem:$0x16800] =	vst v63  }
0x163: {  	_ =	swait.ge [sflag:s26], $0xA000  }
0x164: {  	s6 =	sld [smem:$0x7C3]  }
0x165: {  	[sflag:s26] =	ssyncset.done $0x0  }
0x166: {  	[sflag:s26] =	ssyncadd.s32 $0xFFFF6000  }
0x167: {  	[hbm4b:s6+s2] =	stream.linear.scatter [tilespmem:s4], [sflag:$0x3], $0xA000, $0x38;
	[tilespmem:$0x16800] =	vst v63  }
0x168: {  	_ =	swait.ge [sflag:s22], $0xA000  }
0x169: {  	[sflag:s22] =	ssyncset.done $0x0  }
0x16a: {  	s6 =	rddreg [dreg:$0x5];
	[sflag:s22] =	ssyncadd.s32 $0xFFFF6000  }
0x16b: {  	[hbm4b:s6+s2] =	stream.linear.scatter [tilespmem:s7], [sflag:$0x4], $0xA000, $0x38;
	[tilespmem:$0x16800] =	vst v63  }
0x16c: {  	_ =	swait.ge [sflag:s16], $0xA000  }
0x16d: {  	s0 =	rddreg [dreg:$0x1e];
	[sflag:s16] =	ssyncset.done $0x0  }
0x16e: {  	s6 =	rddreg [dreg:$0x1f];
	[sflag:s16] =	ssyncadd.s32 $0xFFFF6000  }
0x16f: {  	[tilespmem:s4], [sflag:$0x1] =	stream.indirect.gather [hbm4b:s3+s5], $0x20, s0, s5, $0xb8;
	[tilespmem:$0x16800] =	vst v63  }
0x170: {  	s0 =	sld [smem:$0x7C4]  }
0x171: {  	[tilespmem:s8], [sflag:$0x1] =	stream.indirect.gather [hbm4b:s3+s5], $0x20, s6, s5, $0xb8;
	[tilespmem:$0x16800] =	vst v63  }
0x172: {  	s6 =	sld [smem:$0x7C5]  }
0x173: {  	[tilespmem:s9], [sflag:$0x1] =	stream.indirect.gather [hbm4b:s3+s5], $0x20, s0, s5, $0xb8;
	[tilespmem:$0x16800] =	vst v63  }
0x174: {  	s0 =	sld [smem:$0x7C6]  }
0x175: {  	[tilespmem:s10], [sflag:$0x1] =	stream.indirect.gather [hbm4b:s3+s5], $0x20, s6, s5, $0xb8;
	[tilespmem:$0x16800] =	vst v63  }
0x176: {  	s6 =	sld [smem:$0x7C7]  }
0x177: {  	[tilespmem:s11], [sflag:$0x1] =	stream.indirect.gather [hbm4b:s3+s5], $0x20, s0, s5, $0xb8;
	[tilespmem:$0x16800] =	vst v63  }
0x178: {  	s0 =	sld [smem:$0x7C8]  }
0x179: {  	[tilespmem:s12], [sflag:$0x1] =	stream.indirect.gather [hbm4b:s3+s5], $0x20, s6, s5, $0xb8;
	[tilespmem:$0x16800] =	vst v63  }
0x17a: {  	s6 =	sld [smem:$0x7C9]  }
0x17b: {  	[tilespmem:s14], [sflag:$0x1] =	stream.indirect.gather [hbm4b:s3+s5], $0x20, s0, s5, $0xb8;
	[tilespmem:$0x16800] =	vst v63  }
0x17c: {  	s0 =	sld [smem:$0x7CA]  }
0x17d: {  	[tilespmem:s15], [sflag:$0x1] =	stream.indirect.gather [hbm4b:s3+s5], $0x20, s6, s5, $0xb8;
	[tilespmem:$0x16800] =	vst v63  }
0x17e: {  	s6 =	sld [smem:$0x7CB]  }
0x17f: {  	[tilespmem:s17], [sflag:$0x1] =	stream.indirect.gather [hbm4b:s3+s5], $0x20, s0, s5, $0xb8;
	[tilespmem:$0x16800] =	vst v63  }
0x180: {  	_ = 	snop  }
0x181: {  	[tilespmem:s20], [sflag:$0x1] =	stream.indirect.gather [hbm4b:s3+s5], $0x20, s6, s5, $0xb8;
	[tilespmem:$0x16800] =	vst v63  }
0x182: {  	_ =	swait.ge [sflag:s13], $0xA000  }
0x183: {  	s0 =	sld [smem:$0x7CC]  }
0x184: {  	[sflag:s13] =	ssyncset.done $0x0  }
0x185: {  	s6 =	sld [smem:$0x7CD];
	[sflag:s13] =	ssyncadd.s32 $0xFFFF6000  }
0x186: {  	[tilespmem:s7], [sflag:$0x2] =	stream.indirect.gather [hbm4b:s3+s5], $0x20, s0, s5, $0xb8;
	[tilespmem:$0x16800] =	vst v63  }
0x187: {  	s0 =	sld [smem:$0x7CE]  }
0x188: {  	[tilespmem:s18], [sflag:$0x2] =	stream.indirect.gather [hbm4b:s3+s5], $0x20, s6, s5, $0xb8;
	[tilespmem:$0x16800] =	vst v63  }
0x189: {  	s6 =	sld [smem:$0x7CF]  }
0x18a: {  	[tilespmem:s19], [sflag:$0x2] =	stream.indirect.gather [hbm4b:s3+s5], $0x20, s0, s5, $0xb8;
	[tilespmem:$0x16800] =	vst v63  }
0x18b: {  	s0 =	sld [smem:$0x7D0]  }
0x18c: {  	[tilespmem:s21], [sflag:$0x2] =	stream.indirect.gather [hbm4b:s3+s5], $0x20, s6, s5, $0xb8;
	[tilespmem:$0x16800] =	vst v63  }
0x18d: {  	s6 =	sld [smem:$0x7D1]  }
0x18e: {  	[tilespmem:s23], [sflag:$0x2] =	stream.indirect.gather [hbm4b:s3+s5], $0x20, s0, s5, $0xb8;
	[tilespmem:$0x16800] =	vst v63  }
0x18f: {  	s0 =	sld [smem:$0x7D2]  }
0x190: {  	[tilespmem:s24], [sflag:$0x2] =	stream.indirect.gather [hbm4b:s3+s5], $0x20, s6, s5, $0xb8;
	[tilespmem:$0x16800] =	vst v63  }
0x191: {  	s6 =	sld [smem:$0x7D3]  }
0x192: {  	[tilespmem:s25], [sflag:$0x2] =	stream.indirect.gather [hbm4b:s3+s5], $0x20, s0, s5, $0xb8;
	[tilespmem:$0x16800] =	vst v63  }
0x193: {  	s0 =	sld [smem:$0x7D4]  }
0x194: {  	[tilespmem:s28], [sflag:$0x2] =	stream.indirect.gather [hbm4b:s3+s5], $0x20, s6, s5, $0xb8;
	[tilespmem:$0x16800] =	vst v63  }
0x195: {  	s6 =	sld [smem:$0x7D5]  }
0x196: {  	[tilespmem:s29], [sflag:$0x2] =	stream.indirect.gather [hbm4b:s3+s5], $0x20, s0, s5, $0xb8;
	[tilespmem:$0x16800] =	vst v63  }
0x197: {  	_ = 	snop  }
0x198: {  	[tilespmem:s30], [sflag:$0x2] =	stream.indirect.gather [hbm4b:s3+s5], $0x20, s6, s5, $0xb8;
	[tilespmem:$0x16800] =	vst v63  }
0x199: {  	_ =	swait.ge [sflag:s26], $0xA000  }
0x19a: {  	[sflag:s26] =	ssyncset.done $0x0  }
0x19b: {  	s6 =	rddreg [dreg:$0x6];
	[sflag:s26] =	ssyncadd.s32 $0xFFFF6000  }
0x19c: {  	[hbm4b:s6+s2] =	stream.linear.scatter [tilespmem:s4], [sflag:$0x3], $0xA000, $0x38;
	[tilespmem:$0x16800] =	vst v63  }
0x19d: {  	_ =	swait.ge [sflag:s22], $0xA000  }
0x19e: {  	[sflag:s22] =	ssyncset.done $0x0  }
0x19f: {  	s6 =	rddreg [dreg:$0x7];
	[sflag:s22] =	ssyncadd.s32 $0xFFFF6000  }
0x1a0: {  	[hbm4b:s6+s2] =	stream.linear.scatter [tilespmem:s7], [sflag:$0x4], $0xA000, $0x38;
	[tilespmem:$0x16800] =	vst v63  }
0x1a1: {  	_ =	swait.ge [sflag:s16], $0xA000  }
0x1a2: {  	s0 =	sld [smem:$0x7D6]  }
0x1a3: {  	[sflag:s16] =	ssyncset.done $0x0  }
0x1a4: {  	s6 =	sld [smem:$0x7D7];
	[sflag:s16] =	ssyncadd.s32 $0xFFFF6000  }
0x1a5: {  	[tilespmem:s4], [sflag:$0x1] =	stream.indirect.gather [hbm4b:s3+s5], $0x20, s0, s5, $0xb8;
	[tilespmem:$0x16800] =	vst v63  }
0x1a6: {  	s0 =	sld [smem:$0x7D8]  }
0x1a7: {  	[tilespmem:s8], [sflag:$0x1] =	stream.indirect.gather [hbm4b:s3+s5], $0x20, s6, s5, $0xb8;
	[tilespmem:$0x16800] =	vst v63  }
0x1a8: {  	s6 =	sld [smem:$0x7D9]  }
0x1a9: {  	[tilespmem:s9], [sflag:$0x1] =	stream.indirect.gather [hbm4b:s3+s5], $0x20, s0, s5, $0xb8;
	[tilespmem:$0x16800] =	vst v63  }
0x1aa: {  	s0 =	sld [smem:$0x7DA]  }
0x1ab: {  	[tilespmem:s10], [sflag:$0x1] =	stream.indirect.gather [hbm4b:s3+s5], $0x20, s6, s5, $0xb8;
	[tilespmem:$0x16800] =	vst v63  }
0x1ac: {  	s6 =	sld [smem:$0x7DB]  }
0x1ad: {  	[tilespmem:s11], [sflag:$0x1] =	stream.indirect.gather [hbm4b:s3+s5], $0x20, s0, s5, $0xb8;
	[tilespmem:$0x16800] =	vst v63  }
0x1ae: {  	s0 =	sld [smem:$0x7DC]  }
0x1af: {  	[tilespmem:s12], [sflag:$0x1] =	stream.indirect.gather [hbm4b:s3+s5], $0x20, s6, s5, $0xb8;
	[tilespmem:$0x16800] =	vst v63  }
0x1b0: {  	s6 =	sld [smem:$0x7DD]  }
0x1b1: {  	[tilespmem:s14], [sflag:$0x1] =	stream.indirect.gather [hbm4b:s3+s5], $0x20, s0, s5, $0xb8;
	[tilespmem:$0x16800] =	vst v63  }
0x1b2: {  	s0 =	sld [smem:$0x7DE]  }
0x1b3: {  	[tilespmem:s15], [sflag:$0x1] =	stream.indirect.gather [hbm4b:s3+s5], $0x20, s6, s5, $0xb8;
	[tilespmem:$0x16800] =	vst v63  }
0x1b4: {  	s6 =	sld [smem:$0x7DF]  }
0x1b5: {  	[tilespmem:s17], [sflag:$0x1] =	stream.indirect.gather [hbm4b:s3+s5], $0x20, s0, s5, $0xb8;
	[tilespmem:$0x16800] =	vst v63  }
0x1b6: {  	_ = 	snop  }
0x1b7: {  	[tilespmem:s20], [sflag:$0x1] =	stream.indirect.gather [hbm4b:s3+s5], $0x20, s6, s5, $0xb8;
	[tilespmem:$0x16800] =	vst v63  }
0x1b8: {  	_ =	swait.ge [sflag:s13], $0xA000  }
0x1b9: {  	s0 =	sld [smem:$0x7E0]  }
0x1ba: {  	[sflag:s13] =	ssyncset.done $0x0  }
0x1bb: {  	s6 =	sld [smem:$0x7E1];
	[sflag:s13] =	ssyncadd.s32 $0xFFFF6000  }
0x1bc: {  	[tilespmem:s7], [sflag:$0x2] =	stream.indirect.gather [hbm4b:s3+s5], $0x20, s0, s5, $0xb8;
	[tilespmem:$0x16800] =	vst v63  }
0x1bd: {  	s0 =	sld [smem:$0x7E2]  }
0x1be: {  	[tilespmem:s18], [sflag:$0x2] =	stream.indirect.gather [hbm4b:s3+s5], $0x20, s6, s5, $0xb8;
	[tilespmem:$0x16800] =	vst v63  }
0x1bf: {  	s6 =	sld [smem:$0x7E3]  }
0x1c0: {  	[tilespmem:s19], [sflag:$0x2] =	stream.indirect.gather [hbm4b:s3+s5], $0x20, s0, s5, $0xb8;
	[tilespmem:$0x16800] =	vst v63  }
0x1c1: {  	s0 =	sld [smem:$0x7E4]  }
0x1c2: {  	[tilespmem:s21], [sflag:$0x2] =	stream.indirect.gather [hbm4b:s3+s5], $0x20, s6, s5, $0xb8;
	[tilespmem:$0x16800] =	vst v63  }
0x1c3: {  	s6 =	sld [smem:$0x7E5]  }
0x1c4: {  	[tilespmem:s23], [sflag:$0x2] =	stream.indirect.gather [hbm4b:s3+s5], $0x20, s0, s5, $0xb8;
	[tilespmem:$0x16800] =	vst v63  }
0x1c5: {  	s0 =	sld [smem:$0x7E6]  }
0x1c6: {  	[tilespmem:s24], [sflag:$0x2] =	stream.indirect.gather [hbm4b:s3+s5], $0x20, s6, s5, $0xb8;
	[tilespmem:$0x16800] =	vst v63  }
0x1c7: {  	s6 =	sld [smem:$0x7E7]  }
0x1c8: {  	[tilespmem:s25], [sflag:$0x2] =	stream.indirect.gather [hbm4b:s3+s5], $0x20, s0, s5, $0xb8;
	[tilespmem:$0x16800] =	vst v63  }
0x1c9: {  	s0 =	sld [smem:$0x7E8]  }
0x1ca: {  	[tilespmem:s28], [sflag:$0x2] =	stream.indirect.gather [hbm4b:s3+s5], $0x20, s6, s5, $0xb8;
	[tilespmem:$0x16800] =	vst v63  }
0x1cb: {  	s6 =	sld [smem:$0x7E9]  }
0x1cc: {  	[tilespmem:s29], [sflag:$0x2] =	stream.indirect.gather [hbm4b:s3+s5], $0x20, s0, s5, $0xb8;
	[tilespmem:$0x16800] =	vst v63  }
0x1cd: {  	_ = 	snop  }
0x1ce: {  	[tilespmem:s30], [sflag:$0x2] =	stream.indirect.gather [hbm4b:s3+s5], $0x20, s6, s5, $0xb8;
	[tilespmem:$0x16800] =	vst v63  }
0x1cf: {  	_ =	swait.ge [sflag:s26], $0xA000  }
0x1d0: {  	[sflag:s26] =	ssyncset.done $0x0  }
0x1d1: {  	s6 =	rddreg [dreg:$0x8];
	[sflag:s26] =	ssyncadd.s32 $0xFFFF6000  }
0x1d2: {  	[hbm4b:s6+s2] =	stream.linear.scatter [tilespmem:s4], [sflag:$0x3], $0xA000, $0x38;
	[tilespmem:$0x16800] =	vst v63  }
0x1d3: {  	_ =	swait.ge [sflag:s22], $0xA000  }
0x1d4: {  	[sflag:s22] =	ssyncset.done $0x0  }
0x1d5: {  	s6 =	rddreg [dreg:$0x9];
	[sflag:s22] =	ssyncadd.s32 $0xFFFF6000  }
0x1d6: {  	[hbm4b:s6+s2] =	stream.linear.scatter [tilespmem:s7], [sflag:$0x4], $0xA000, $0x38;
	[tilespmem:$0x16800] =	vst v63  }
0x1d7: {  	_ =	swait.ge [sflag:s16], $0xA000  }
0x1d8: {  	s0 =	sld [smem:$0x7EA]  }
0x1d9: {  	[sflag:s16] =	ssyncset.done $0x0  }
0x1da: {  	s6 =	sld [smem:$0x7EB];
	[sflag:s16] =	ssyncadd.s32 $0xFFFF6000  }
0x1db: {  	[tilespmem:s4], [sflag:$0x1] =	stream.indirect.gather [hbm4b:s3+s5], $0x20, s0, s5, $0xb8;
	[tilespmem:$0x16800] =	vst v63  }
0x1dc: {  	s0 =	sld [smem:$0x7EC]  }
0x1dd: {  	[tilespmem:s8], [sflag:$0x1] =	stream.indirect.gather [hbm4b:s3+s5], $0x20, s6, s5, $0xb8;
	[tilespmem:$0x16800] =	vst v63  }
0x1de: {  	s6 =	sld [smem:$0x7ED]  }
0x1df: {  	[tilespmem:s9], [sflag:$0x1] =	stream.indirect.gather [hbm4b:s3+s5], $0x20, s0, s5, $0xb8;
	[tilespmem:$0x16800] =	vst v63  }
0x1e0: {  	s0 =	sld [smem:$0x7EE]  }
0x1e1: {  	[tilespmem:s10], [sflag:$0x1] =	stream.indirect.gather [hbm4b:s3+s5], $0x20, s6, s5, $0xb8;
	[tilespmem:$0x16800] =	vst v63  }
0x1e2: {  	s6 =	sld [smem:$0x7EF]  }
0x1e3: {  	[tilespmem:s11], [sflag:$0x1] =	stream.indirect.gather [hbm4b:s3+s5], $0x20, s0, s5, $0xb8;
	[tilespmem:$0x16800] =	vst v63  }
0x1e4: {  	s0 =	sld [smem:$0x7F0]  }
0x1e5: {  	[tilespmem:s12], [sflag:$0x1] =	stream.indirect.gather [hbm4b:s3+s5], $0x20, s6, s5, $0xb8;
	[tilespmem:$0x16800] =	vst v63  }
0x1e6: {  	s6 =	sld [smem:$0x7F1]  }
0x1e7: {  	[tilespmem:s14], [sflag:$0x1] =	stream.indirect.gather [hbm4b:s3+s5], $0x20, s0, s5, $0xb8;
	[tilespmem:$0x16800] =	vst v63  }
0x1e8: {  	s0 =	sld [smem:$0x7F2]  }
0x1e9: {  	[tilespmem:s15], [sflag:$0x1] =	stream.indirect.gather [hbm4b:s3+s5], $0x20, s6, s5, $0xb8;
	[tilespmem:$0x16800] =	vst v63  }
0x1ea: {  	s6 =	sld [smem:$0x7F3]  }
0x1eb: {  	[tilespmem:s17], [sflag:$0x1] =	stream.indirect.gather [hbm4b:s3+s5], $0x20, s0, s5, $0xb8;
	[tilespmem:$0x16800] =	vst v63  }
0x1ec: {  	_ = 	snop  }
0x1ed: {  	[tilespmem:s20], [sflag:$0x1] =	stream.indirect.gather [hbm4b:s3+s5], $0x20, s6, s5, $0xb8;
	[tilespmem:$0x16800] =	vst v63  }
0x1ee: {  	_ =	swait.ge [sflag:s13], $0xA000  }
0x1ef: {  	s0 =	sld [smem:$0x7F4]  }
0x1f0: {  	[sflag:s13] =	ssyncset.done $0x0  }
0x1f1: {  	s6 =	sld [smem:$0x7F5];
	[sflag:s13] =	ssyncadd.s32 $0xFFFF6000  }
0x1f2: {  	[tilespmem:s7], [sflag:$0x2] =	stream.indirect.gather [hbm4b:s3+s5], $0x20, s0, s5, $0xb8;
	[tilespmem:$0x16800] =	vst v63  }
0x1f3: {  	s0 =	sld [smem:$0x7F6]  }
0x1f4: {  	[tilespmem:s18], [sflag:$0x2] =	stream.indirect.gather [hbm4b:s3+s5], $0x20, s6, s5, $0xb8;
	[tilespmem:$0x16800] =	vst v63  }
0x1f5: {  	s6 =	sld [smem:$0x7F7]  }
0x1f6: {  	[tilespmem:s19], [sflag:$0x2] =	stream.indirect.gather [hbm4b:s3+s5], $0x20, s0, s5, $0xb8;
	[tilespmem:$0x16800] =	vst v63  }
0x1f7: {  	s0 =	sld [smem:$0x7F8]  }
0x1f8: {  	[tilespmem:s21], [sflag:$0x2] =	stream.indirect.gather [hbm4b:s3+s5], $0x20, s6, s5, $0xb8;
	[tilespmem:$0x16800] =	vst v63  }
0x1f9: {  	s6 =	sld [smem:$0x7F9]  }
0x1fa: {  	[tilespmem:s23], [sflag:$0x2] =	stream.indirect.gather [hbm4b:s3+s5], $0x20, s0, s5, $0xb8;
	[tilespmem:$0x16800] =	vst v63  }
0x1fb: {  	s0 =	sld [smem:$0x7FA]  }
0x1fc: {  	[tilespmem:s24], [sflag:$0x2] =	stream.indirect.gather [hbm4b:s3+s5], $0x20, s6, s5, $0xb8;
	[tilespmem:$0x16800] =	vst v63  }
0x1fd: {  	s6 =	sld [smem:$0x7FB]  }
0x1fe: {  	[tilespmem:s25], [sflag:$0x2] =	stream.indirect.gather [hbm4b:s3+s5], $0x20, s0, s5, $0xb8;
	[tilespmem:$0x16800] =	vst v63  }
0x1ff: {  	s0 =	sld [smem:$0x7FC]  }
0x200: {  	[tilespmem:s28], [sflag:$0x2] =	stream.indirect.gather [hbm4b:s3+s5], $0x20, s6, s5, $0xb8;
	[tilespmem:$0x16800] =	vst v63  }
0x201: {  	s6 =	sld [smem:$0x7FD]  }
0x202: {  	[tilespmem:s29], [sflag:$0x2] =	stream.indirect.gather [hbm4b:s3+s5], $0x20, s0, s5, $0xb8;
	[tilespmem:$0x16800] =	vst v63  }
0x203: {  	_ = 	snop  }
0x204: {  	[tilespmem:s30], [sflag:$0x2] =	stream.indirect.gather [hbm4b:s3+s5], $0x20, s6, s5, $0xb8;
	[tilespmem:$0x16800] =	vst v63  }
0x205: {  	_ =	swait.ge [sflag:s26], $0xA000  }
0x206: {  	[sflag:s26] =	ssyncset.done $0x0  }
0x207: {  	s6 =	rddreg [dreg:$0xa];
	[sflag:s26] =	ssyncadd.s32 $0xFFFF6000  }
0x208: {  	[hbm4b:s6+s2] =	stream.linear.scatter [tilespmem:s4], [sflag:$0x3], $0xA000, $0x38;
	[tilespmem:$0x16800] =	vst v63  }
0x209: {  	_ =	swait.ge [sflag:s22], $0xA000  }
0x20a: {  	[sflag:s22] =	ssyncset.done $0x0  }
0x20b: {  	p1 =	sne.s32 s1, $0x1;
	s6 =	rddreg [dreg:$0xb];
	[sflag:s22] =	ssyncadd.s32 $0xFFFF6000  }
0x20c: {  	[hbm4b:s6+s2] =	stream.linear.scatter [tilespmem:s7], [sflag:$0x4], $0xA000, $0x38;
	[tilespmem:$0x16800] =	vst v63  }
.Ltmp2:
0x20d: {  	_ =	swait.ge [sflag:s16], $0xA000;
	(pc) =	sbr.rel @p1 .LBB2_3-.Ltmp2, $4  }
0x20e: {  	[sflag:s16] =	ssyncset.done $0x0  }
0x20f: {  	[sflag:s16] =	ssyncadd.s32 $0xFFFF6000  }
0x210: {  	_ =	swait.ge [sflag:s13], $0xA000  }
0x211: {  	s1 =	sadd.s32 $0xFFFFFFFF, s1;
	s0 =	rddreg [dreg:$0x4];
	[sflag:s13] =	ssyncset.done $0x0  }
0x212: {  	s6 =	sld [smem:$0x7C3];
	s31 =	simm.s32 $0x5  }
.LBB2_5:
0x213: {  	[sflag:s13] =	ssyncadd.s32 @p0 $0xFFFF6000  }
0x214: {  	[tilespmem:s2], [sflag:$0x5] =	stream.linear.gather [hbm4b:s0+s2], $0x2800, $0x38;
	[tilespmem:$0x16800] =	vst v63  }
0x215: {  	_ =	swait.ge [sflag:s31], $0x2800  }
0x216: {  	[sflag:s31] =	ssyncset.done $0x0  }
0x217: {  	[sflag:s31] =	ssyncadd.s32 $0xFFFFD800  }
0x218: {  	[tilespmem:s4], [sflag:$0x1] =	stream.indirect.gather [hbm4b:s3+s5], $0x20, s2, s5, $0xb8;
	[tilespmem:$0x16800] =	vst v63  }
0x219: {  	_ = 	snop  }
0x21a: {  	[tilespmem:s8], [sflag:$0x1] =	stream.indirect.gather [hbm4b:s3+s5], $0x20, s5, s5, $0xb8;
	[tilespmem:$0x16800] =	vst v63  }
0x21b: {  	s31 =	rddreg [dreg:$0xc]  }
0x21c: {  	[tilespmem:s9], [sflag:$0x1] =	stream.indirect.gather [hbm4b:s3+s5], $0x20, s31, s5, $0xb8;
	[tilespmem:$0x16800] =	vst v63  }
0x21d: {  	s1 =	rddreg [dreg:$0xd]  }
0x21e: {  	[tilespmem:s10], [sflag:$0x1] =	stream.indirect.gather [hbm4b:s3+s5], $0x20, s1, s5, $0xb8;
	[tilespmem:$0x16800] =	vst v63  }
0x21f: {  	s0 =	rddreg [dreg:$0xe]  }
0x220: {  	[tilespmem:s11], [sflag:$0x1] =	stream.indirect.gather [hbm4b:s3+s5], $0x20, s0, s5, $0xb8;
	[tilespmem:$0x16800] =	vst v63  }
0x221: {  	s31 =	rddreg [dreg:$0xf]  }
0x222: {  	[tilespmem:s12], [sflag:$0x1] =	stream.indirect.gather [hbm4b:s3+s5], $0x20, s31, s5, $0xb8;
	[tilespmem:$0x16800] =	vst v63  }
0x223: {  	s0 =	rddreg [dreg:$0x10]  }
0x224: {  	[tilespmem:s14], [sflag:$0x1] =	stream.indirect.gather [hbm4b:s3+s5], $0x20, s0, s5, $0xb8;
	[tilespmem:$0x16800] =	vst v63  }
0x225: {  	s31 =	rddreg [dreg:$0x11]  }
0x226: {  	[tilespmem:s15], [sflag:$0x1] =	stream.indirect.gather [hbm4b:s3+s5], $0x20, s31, s5, $0xb8;
	[tilespmem:$0x16800] =	vst v63  }
0x227: {  	s0 =	rddreg [dreg:$0x12]  }
0x228: {  	[tilespmem:s17], [sflag:$0x1] =	stream.indirect.gather [hbm4b:s3+s5], $0x20, s0, s5, $0xb8;
	[tilespmem:$0x16800] =	vst v63  }
0x229: {  	s31 =	rddreg [dreg:$0x13]  }
0x22a: {  	[tilespmem:s20], [sflag:$0x1] =	stream.indirect.gather [hbm4b:s3+s5], $0x20, s31, s5, $0xb8;
	[tilespmem:$0x16800] =	vst v63  }
0x22b: {  	s0 =	rddreg [dreg:$0x14]  }
0x22c: {  	[tilespmem:s7], [sflag:$0x2] =	stream.indirect.gather [hbm4b:s3+s5], $0x20, s0, s5, $0xb8;
	[tilespmem:$0x16800] =	vst v63  }
0x22d: {  	s31 =	rddreg [dreg:$0x15]  }
0x22e: {  	[tilespmem:s18], [sflag:$0x2] =	stream.indirect.gather [hbm4b:s3+s5], $0x20, s31, s5, $0xb8;
	[tilespmem:$0x16800] =	vst v63  }
0x22f: {  	s0 =	rddreg [dreg:$0x16]  }
0x230: {  	[tilespmem:s19], [sflag:$0x2] =	stream.indirect.gather [hbm4b:s3+s5], $0x20, s0, s5, $0xb8;
	[tilespmem:$0x16800] =	vst v63  }
0x231: {  	s31 =	rddreg [dreg:$0x17]  }
0x232: {  	[tilespmem:s21], [sflag:$0x2] =	stream.indirect.gather [hbm4b:s3+s5], $0x20, s31, s5, $0xb8;
	[tilespmem:$0x16800] =	vst v63  }
0x233: {  	s0 =	rddreg [dreg:$0x18]  }
0x234: {  	[tilespmem:s23], [sflag:$0x2] =	stream.indirect.gather [hbm4b:s3+s5], $0x20, s0, s5, $0xb8;
	[tilespmem:$0x16800] =	vst v63  }
0x235: {  	s31 =	rddreg [dreg:$0x19]  }
0x236: {  	[tilespmem:s24], [sflag:$0x2] =	stream.indirect.gather [hbm4b:s3+s5], $0x20, s31, s5, $0xb8;
	[tilespmem:$0x16800] =	vst v63  }
0x237: {  	s0 =	rddreg [dreg:$0x1a]  }
0x238: {  	[tilespmem:s25], [sflag:$0x2] =	stream.indirect.gather [hbm4b:s3+s5], $0x20, s0, s5, $0xb8;
	[tilespmem:$0x16800] =	vst v63  }
0x239: {  	s31 =	rddreg [dreg:$0x1b]  }
0x23a: {  	[tilespmem:s28], [sflag:$0x2] =	stream.indirect.gather [hbm4b:s3+s5], $0x20, s31, s5, $0xb8;
	[tilespmem:$0x16800] =	vst v63  }
0x23b: {  	s0 =	rddreg [dreg:$0x1c]  }
0x23c: {  	[tilespmem:s29], [sflag:$0x2] =	stream.indirect.gather [hbm4b:s3+s5], $0x20, s0, s5, $0xb8;
	[tilespmem:$0x16800] =	vst v63  }
0x23d: {  	s31 =	rddreg [dreg:$0x1d]  }
0x23e: {  	[tilespmem:s30], [sflag:$0x2] =	stream.indirect.gather [hbm4b:s3+s5], $0x20, s31, s5, $0xb8;
	[tilespmem:$0x16800] =	vst v63  }
0x23f: {  	_ =	swait.ge [sflag:s26], $0xA000  }
0x240: {  	[sflag:s26] =	ssyncset.done $0x0  }
0x241: {  	[sflag:s26] =	ssyncadd.s32 $0xFFFF6000  }
0x242: {  	[hbm4b:s6+s2] =	stream.linear.scatter [tilespmem:s4], [sflag:$0x3], $0xA000, $0x38;
	[tilespmem:$0x16800] =	vst v63  }
0x243: {  	_ =	swait.ge [sflag:s22], $0xA000  }
0x244: {  	[sflag:s22] =	ssyncset.done $0x0  }
0x245: {  	s1 =	rddreg [dreg:$0x5];
	[sflag:s22] =	ssyncadd.s32 $0xFFFF6000  }
0x246: {  	[hbm4b:s1+s2] =	stream.linear.scatter [tilespmem:s7], [sflag:$0x4], $0xA000, $0x38;
	[tilespmem:$0x16800] =	vst v63  }
0x247: {  	_ =	swait.ge [sflag:s16], $0xA000  }
0x248: {  	s6 =	rddreg [dreg:$0x1e];
	[sflag:s16] =	ssyncset.done $0x0  }
0x249: {  	s31 =	rddreg [dreg:$0x1f];
	[sflag:s16] =	ssyncadd.s32 $0xFFFF6000  }
0x24a: {  	[tilespmem:s4], [sflag:$0x1] =	stream.indirect.gather [hbm4b:s3+s5], $0x20, s6, s5, $0xb8;
	[tilespmem:$0x16800] =	vst v63  }
0x24b: {  	s6 =	sld [smem:$0x7C4]  }
0x24c: {  	[tilespmem:s8], [sflag:$0x1] =	stream.indirect.gather [hbm4b:s3+s5], $0x20, s31, s5, $0xb8;
	[tilespmem:$0x16800] =	vst v63  }
0x24d: {  	s31 =	sld [smem:$0x7C5]  }
0x24e: {  	[tilespmem:s9], [sflag:$0x1] =	stream.indirect.gather [hbm4b:s3+s5], $0x20, s6, s5, $0xb8;
	[tilespmem:$0x16800] =	vst v63  }
0x24f: {  	s6 =	sld [smem:$0x7C6]  }
0x250: {  	[tilespmem:s10], [sflag:$0x1] =	stream.indirect.gather [hbm4b:s3+s5], $0x20, s31, s5, $0xb8;
	[tilespmem:$0x16800] =	vst v63  }
0x251: {  	s31 =	sld [smem:$0x7C7]  }
0x252: {  	[tilespmem:s11], [sflag:$0x1] =	stream.indirect.gather [hbm4b:s3+s5], $0x20, s6, s5, $0xb8;
	[tilespmem:$0x16800] =	vst v63  }
0x253: {  	s6 =	sld [smem:$0x7C8]  }
0x254: {  	[tilespmem:s12], [sflag:$0x1] =	stream.indirect.gather [hbm4b:s3+s5], $0x20, s31, s5, $0xb8;
	[tilespmem:$0x16800] =	vst v63  }
0x255: {  	s31 =	sld [smem:$0x7C9]  }
0x256: {  	[tilespmem:s14], [sflag:$0x1] =	stream.indirect.gather [hbm4b:s3+s5], $0x20, s6, s5, $0xb8;
	[tilespmem:$0x16800] =	vst v63  }
0x257: {  	s6 =	sld [smem:$0x7CA]  }
0x258: {  	[tilespmem:s15], [sflag:$0x1] =	stream.indirect.gather [hbm4b:s3+s5], $0x20, s31, s5, $0xb8;
	[tilespmem:$0x16800] =	vst v63  }
0x259: {  	s31 =	sld [smem:$0x7CB]  }
0x25a: {  	[tilespmem:s17], [sflag:$0x1] =	stream.indirect.gather [hbm4b:s3+s5], $0x20, s6, s5, $0xb8;
	[tilespmem:$0x16800] =	vst v63  }
0x25b: {  	_ = 	snop  }
0x25c: {  	[tilespmem:s20], [sflag:$0x1] =	stream.indirect.gather [hbm4b:s3+s5], $0x20, s31, s5, $0xb8;
	[tilespmem:$0x16800] =	vst v63  }
0x25d: {  	_ =	swait.ge [sflag:s13], $0xA000  }
0x25e: {  	s1 =	sld [smem:$0x7CC]  }
0x25f: {  	[sflag:s13] =	ssyncset.done $0x0  }
0x260: {  	s6 =	sld [smem:$0x7CD];
	[sflag:s13] =	ssyncadd.s32 $0xFFFF6000  }
0x261: {  	[tilespmem:s7], [sflag:$0x2] =	stream.indirect.gather [hbm4b:s3+s5], $0x20, s1, s5, $0xb8;
	[tilespmem:$0x16800] =	vst v63  }
0x262: {  	s31 =	sld [smem:$0x7CE]  }
0x263: {  	[tilespmem:s18], [sflag:$0x2] =	stream.indirect.gather [hbm4b:s3+s5], $0x20, s6, s5, $0xb8;
	[tilespmem:$0x16800] =	vst v63  }
0x264: {  	s6 =	sld [smem:$0x7CF]  }
0x265: {  	[tilespmem:s19], [sflag:$0x2] =	stream.indirect.gather [hbm4b:s3+s5], $0x20, s31, s5, $0xb8;
	[tilespmem:$0x16800] =	vst v63  }
0x266: {  	s31 =	sld [smem:$0x7D0]  }
0x267: {  	[tilespmem:s21], [sflag:$0x2] =	stream.indirect.gather [hbm4b:s3+s5], $0x20, s6, s5, $0xb8;
	[tilespmem:$0x16800] =	vst v63  }
0x268: {  	s6 =	sld [smem:$0x7D1]  }
0x269: {  	[tilespmem:s23], [sflag:$0x2] =	stream.indirect.gather [hbm4b:s3+s5], $0x20, s31, s5, $0xb8;
	[tilespmem:$0x16800] =	vst v63  }
0x26a: {  	s31 =	sld [smem:$0x7D2]  }
0x26b: {  	[tilespmem:s24], [sflag:$0x2] =	stream.indirect.gather [hbm4b:s3+s5], $0x20, s6, s5, $0xb8;
	[tilespmem:$0x16800] =	vst v63  }
0x26c: {  	s6 =	sld [smem:$0x7D3]  }
0x26d: {  	[tilespmem:s25], [sflag:$0x2] =	stream.indirect.gather [hbm4b:s3+s5], $0x20, s31, s5, $0xb8;
	[tilespmem:$0x16800] =	vst v63  }
0x26e: {  	s31 =	sld [smem:$0x7D4]  }
0x26f: {  	[tilespmem:s28], [sflag:$0x2] =	stream.indirect.gather [hbm4b:s3+s5], $0x20, s6, s5, $0xb8;
	[tilespmem:$0x16800] =	vst v63  }
0x270: {  	s6 =	sld [smem:$0x7D5]  }
0x271: {  	[tilespmem:s29], [sflag:$0x2] =	stream.indirect.gather [hbm4b:s3+s5], $0x20, s31, s5, $0xb8;
	[tilespmem:$0x16800] =	vst v63  }
0x272: {  	_ = 	snop  }
0x273: {  	[tilespmem:s30], [sflag:$0x2] =	stream.indirect.gather [hbm4b:s3+s5], $0x20, s6, s5, $0xb8;
	[tilespmem:$0x16800] =	vst v63  }
0x274: {  	_ =	swait.ge [sflag:s26], $0xA000  }
0x275: {  	[sflag:s26] =	ssyncset.done $0x0  }
0x276: {  	s31 =	rddreg [dreg:$0x6];
	[sflag:s26] =	ssyncadd.s32 $0xFFFF6000  }
0x277: {  	[hbm4b:s31+s2] =	stream.linear.scatter [tilespmem:s4], [sflag:$0x3], $0xA000, $0x38;
	[tilespmem:$0x16800] =	vst v63  }
0x278: {  	_ =	swait.ge [sflag:s22], $0xA000  }
0x279: {  	[sflag:s22] =	ssyncset.done $0x0  }
0x27a: {  	s1 =	rddreg [dreg:$0x7];
	[sflag:s22] =	ssyncadd.s32 $0xFFFF6000  }
0x27b: {  	[hbm4b:s1+s2] =	stream.linear.scatter [tilespmem:s7], [sflag:$0x4], $0xA000, $0x38;
	[tilespmem:$0x16800] =	vst v63  }
0x27c: {  	_ =	swait.ge [sflag:s16], $0xA000  }
0x27d: {  	s6 =	sld [smem:$0x7D6]  }
0x27e: {  	[sflag:s16] =	ssyncset.done $0x0  }
0x27f: {  	s31 =	sld [smem:$0x7D7];
	[sflag:s16] =	ssyncadd.s32 $0xFFFF6000  }
0x280: {  	[tilespmem:s4], [sflag:$0x1] =	stream.indirect.gather [hbm4b:s3+s5], $0x20, s6, s5, $0xb8;
	[tilespmem:$0x16800] =	vst v63  }
0x281: {  	s6 =	sld [smem:$0x7D8]  }
0x282: {  	[tilespmem:s8], [sflag:$0x1] =	stream.indirect.gather [hbm4b:s3+s5], $0x20, s31, s5, $0xb8;
	[tilespmem:$0x16800] =	vst v63  }
0x283: {  	s31 =	sld [smem:$0x7D9]  }
0x284: {  	[tilespmem:s9], [sflag:$0x1] =	stream.indirect.gather [hbm4b:s3+s5], $0x20, s6, s5, $0xb8;
	[tilespmem:$0x16800] =	vst v63  }
0x285: {  	s6 =	sld [smem:$0x7DA]  }
0x286: {  	[tilespmem:s10], [sflag:$0x1] =	stream.indirect.gather [hbm4b:s3+s5], $0x20, s31, s5, $0xb8;
	[tilespmem:$0x16800] =	vst v63  }
0x287: {  	s31 =	sld [smem:$0x7DB]  }
0x288: {  	[tilespmem:s11], [sflag:$0x1] =	stream.indirect.gather [hbm4b:s3+s5], $0x20, s6, s5, $0xb8;
	[tilespmem:$0x16800] =	vst v63  }
0x289: {  	s6 =	sld [smem:$0x7DC]  }
0x28a: {  	[tilespmem:s12], [sflag:$0x1] =	stream.indirect.gather [hbm4b:s3+s5], $0x20, s31, s5, $0xb8;
	[tilespmem:$0x16800] =	vst v63  }
0x28b: {  	s31 =	sld [smem:$0x7DD]  }
0x28c: {  	[tilespmem:s14], [sflag:$0x1] =	stream.indirect.gather [hbm4b:s3+s5], $0x20, s6, s5, $0xb8;
	[tilespmem:$0x16800] =	vst v63  }
0x28d: {  	s6 =	sld [smem:$0x7DE]  }
0x28e: {  	[tilespmem:s15], [sflag:$0x1] =	stream.indirect.gather [hbm4b:s3+s5], $0x20, s31, s5, $0xb8;
	[tilespmem:$0x16800] =	vst v63  }
0x28f: {  	s31 =	sld [smem:$0x7DF]  }
0x290: {  	[tilespmem:s17], [sflag:$0x1] =	stream.indirect.gather [hbm4b:s3+s5], $0x20, s6, s5, $0xb8;
	[tilespmem:$0x16800] =	vst v63  }
0x291: {  	_ = 	snop  }
0x292: {  	[tilespmem:s20], [sflag:$0x1] =	stream.indirect.gather [hbm4b:s3+s5], $0x20, s31, s5, $0xb8;
	[tilespmem:$0x16800] =	vst v63  }
0x293: {  	_ =	swait.ge [sflag:s13], $0xA000  }
0x294: {  	s1 =	sld [smem:$0x7E0]  }
0x295: {  	[sflag:s13] =	ssyncset.done $0x0  }
0x296: {  	s6 =	sld [smem:$0x7E1];
	[sflag:s13] =	ssyncadd.s32 $0xFFFF6000  }
0x297: {  	[tilespmem:s7], [sflag:$0x2] =	stream.indirect.gather [hbm4b:s3+s5], $0x20, s1, s5, $0xb8;
	[tilespmem:$0x16800] =	vst v63  }
0x298: {  	s31 =	sld [smem:$0x7E2]  }
0x299: {  	[tilespmem:s18], [sflag:$0x2] =	stream.indirect.gather [hbm4b:s3+s5], $0x20, s6, s5, $0xb8;
	[tilespmem:$0x16800] =	vst v63  }
0x29a: {  	s6 =	sld [smem:$0x7E3]  }
0x29b: {  	[tilespmem:s19], [sflag:$0x2] =	stream.indirect.gather [hbm4b:s3+s5], $0x20, s31, s5, $0xb8;
	[tilespmem:$0x16800] =	vst v63  }
0x29c: {  	s31 =	sld [smem:$0x7E4]  }
0x29d: {  	[tilespmem:s21], [sflag:$0x2] =	stream.indirect.gather [hbm4b:s3+s5], $0x20, s6, s5, $0xb8;
	[tilespmem:$0x16800] =	vst v63  }
0x29e: {  	s6 =	sld [smem:$0x7E5]  }
0x29f: {  	[tilespmem:s23], [sflag:$0x2] =	stream.indirect.gather [hbm4b:s3+s5], $0x20, s31, s5, $0xb8;
	[tilespmem:$0x16800] =	vst v63  }
0x2a0: {  	s31 =	sld [smem:$0x7E6]  }
0x2a1: {  	[tilespmem:s24], [sflag:$0x2] =	stream.indirect.gather [hbm4b:s3+s5], $0x20, s6, s5, $0xb8;
	[tilespmem:$0x16800] =	vst v63  }
0x2a2: {  	s6 =	sld [smem:$0x7E7]  }
0x2a3: {  	[tilespmem:s25], [sflag:$0x2] =	stream.indirect.gather [hbm4b:s3+s5], $0x20, s31, s5, $0xb8;
	[tilespmem:$0x16800] =	vst v63  }
0x2a4: {  	s31 =	sld [smem:$0x7E8]  }
0x2a5: {  	[tilespmem:s28], [sflag:$0x2] =	stream.indirect.gather [hbm4b:s3+s5], $0x20, s6, s5, $0xb8;
	[tilespmem:$0x16800] =	vst v63  }
0x2a6: {  	s6 =	sld [smem:$0x7E9]  }
0x2a7: {  	[tilespmem:s29], [sflag:$0x2] =	stream.indirect.gather [hbm4b:s3+s5], $0x20, s31, s5, $0xb8;
	[tilespmem:$0x16800] =	vst v63  }
0x2a8: {  	_ = 	snop  }
0x2a9: {  	[tilespmem:s30], [sflag:$0x2] =	stream.indirect.gather [hbm4b:s3+s5], $0x20, s6, s5, $0xb8;
	[tilespmem:$0x16800] =	vst v63  }
0x2aa: {  	_ =	swait.ge [sflag:s26], $0xA000  }
0x2ab: {  	[sflag:s26] =	ssyncset.done $0x0  }
0x2ac: {  	s31 =	rddreg [dreg:$0x8];
	[sflag:s26] =	ssyncadd.s32 $0xFFFF6000  }
0x2ad: {  	[hbm4b:s31+s2] =	stream.linear.scatter [tilespmem:s4], [sflag:$0x3], $0xA000, $0x38;
	[tilespmem:$0x16800] =	vst v63  }
0x2ae: {  	_ =	swait.ge [sflag:s22], $0xA000  }
0x2af: {  	[sflag:s22] =	ssyncset.done $0x0  }
0x2b0: {  	s1 =	rddreg [dreg:$0x9];
	[sflag:s22] =	ssyncadd.s32 $0xFFFF6000  }
0x2b1: {  	[hbm4b:s1+s2] =	stream.linear.scatter [tilespmem:s7], [sflag:$0x4], $0xA000, $0x38;
	[tilespmem:$0x16800] =	vst v63  }
0x2b2: {  	_ =	swait.ge [sflag:s16], $0xA000  }
0x2b3: {  	s6 =	sld [smem:$0x7EA]  }
0x2b4: {  	[sflag:s16] =	ssyncset.done $0x0  }
0x2b5: {  	s31 =	sld [smem:$0x7EB];
	[sflag:s16] =	ssyncadd.s32 $0xFFFF6000  }
0x2b6: {  	[tilespmem:s4], [sflag:$0x1] =	stream.indirect.gather [hbm4b:s3+s5], $0x20, s6, s5, $0xb8;
	[tilespmem:$0x16800] =	vst v63  }
0x2b7: {  	s6 =	sld [smem:$0x7EC]  }
0x2b8: {  	[tilespmem:s8], [sflag:$0x1] =	stream.indirect.gather [hbm4b:s3+s5], $0x20, s31, s5, $0xb8;
	[tilespmem:$0x16800] =	vst v63  }
0x2b9: {  	s31 =	sld [smem:$0x7ED]  }
0x2ba: {  	[tilespmem:s9], [sflag:$0x1] =	stream.indirect.gather [hbm4b:s3+s5], $0x20, s6, s5, $0xb8;
	[tilespmem:$0x16800] =	vst v63  }
0x2bb: {  	s6 =	sld [smem:$0x7EE]  }
0x2bc: {  	[tilespmem:s10], [sflag:$0x1] =	stream.indirect.gather [hbm4b:s3+s5], $0x20, s31, s5, $0xb8;
	[tilespmem:$0x16800] =	vst v63  }
0x2bd: {  	s8 =	sld [smem:$0x7EF]  }
0x2be: {  	[tilespmem:s11], [sflag:$0x1] =	stream.indirect.gather [hbm4b:s3+s5], $0x20, s6, s5, $0xb8;
	[tilespmem:$0x16800] =	vst v63  }
0x2bf: {  	s9 =	sld [smem:$0x7F0]  }
0x2c0: {  	[tilespmem:s12], [sflag:$0x1] =	stream.indirect.gather [hbm4b:s3+s5], $0x20, s8, s5, $0xb8;
	[tilespmem:$0x16800] =	vst v63  }
0x2c1: {  	s10 =	sld [smem:$0x7F1]  }
0x2c2: {  	[tilespmem:s14], [sflag:$0x1] =	stream.indirect.gather [hbm4b:s3+s5], $0x20, s9, s5, $0xb8;
	[tilespmem:$0x16800] =	vst v63  }
0x2c3: {  	s11 =	sld [smem:$0x7F2]  }
0x2c4: {  	[tilespmem:s15], [sflag:$0x1] =	stream.indirect.gather [hbm4b:s3+s5], $0x20, s10, s5, $0xb8;
	[tilespmem:$0x16800] =	vst v63  }
0x2c5: {  	s12 =	sld [smem:$0x7F3]  }
0x2c6: {  	[tilespmem:s17], [sflag:$0x1] =	stream.indirect.gather [hbm4b:s3+s5], $0x20, s11, s5, $0xb8;
	[tilespmem:$0x16800] =	vst v63  }
0x2c7: {  	_ = 	snop  }
0x2c8: {  	[tilespmem:s20], [sflag:$0x1] =	stream.indirect.gather [hbm4b:s3+s5], $0x20, s12, s5, $0xb8;
	[tilespmem:$0x16800] =	vst v63  }
0x2c9: {  	_ =	swait.ge [sflag:s13], $0xA000  }
0x2ca: {  	s14 =	sld [smem:$0x7F4]  }
0x2cb: {  	[sflag:s13] =	ssyncset.done $0x0  }
0x2cc: {  	s15 =	sld [smem:$0x7F5];
	[sflag:s13] =	ssyncadd.s32 $0xFFFF6000  }
0x2cd: {  	[tilespmem:s7], [sflag:$0x2] =	stream.indirect.gather [hbm4b:s3+s5], $0x20, s14, s5, $0xb8;
	[tilespmem:$0x16800] =	vst v63  }
0x2ce: {  	s17 =	sld [smem:$0x7F6]  }
0x2cf: {  	[tilespmem:s18], [sflag:$0x2] =	stream.indirect.gather [hbm4b:s3+s5], $0x20, s15, s5, $0xb8;
	[tilespmem:$0x16800] =	vst v63  }
0x2d0: {  	s18 =	sld [smem:$0x7F7]  }
0x2d1: {  	[tilespmem:s19], [sflag:$0x2] =	stream.indirect.gather [hbm4b:s3+s5], $0x20, s17, s5, $0xb8;
	[tilespmem:$0x16800] =	vst v63  }
0x2d2: {  	s20 =	sld [smem:$0x7F8]  }
0x2d3: {  	[tilespmem:s21], [sflag:$0x2] =	stream.indirect.gather [hbm4b:s3+s5], $0x20, s18, s5, $0xb8;
	[tilespmem:$0x16800] =	vst v63  }
0x2d4: {  	s21 =	sld [smem:$0x7F9]  }
0x2d5: {  	[tilespmem:s23], [sflag:$0x2] =	stream.indirect.gather [hbm4b:s3+s5], $0x20, s20, s5, $0xb8;
	[tilespmem:$0x16800] =	vst v63  }
0x2d6: {  	s23 =	sld [smem:$0x7FA]  }
0x2d7: {  	[tilespmem:s24], [sflag:$0x2] =	stream.indirect.gather [hbm4b:s3+s5], $0x20, s21, s5, $0xb8;
	[tilespmem:$0x16800] =	vst v63  }
0x2d8: {  	s24 =	sld [smem:$0x7FB]  }
0x2d9: {  	[tilespmem:s25], [sflag:$0x2] =	stream.indirect.gather [hbm4b:s3+s5], $0x20, s23, s5, $0xb8;
	[tilespmem:$0x16800] =	vst v63  }
0x2da: {  	s25 =	sld [smem:$0x7FC]  }
0x2db: {  	[tilespmem:s28], [sflag:$0x2] =	stream.indirect.gather [hbm4b:s3+s5], $0x20, s24, s5, $0xb8;
	[tilespmem:$0x16800] =	vst v63  }
0x2dc: {  	s28 =	sld [smem:$0x7FD]  }
0x2dd: {  	[tilespmem:s29], [sflag:$0x2] =	stream.indirect.gather [hbm4b:s3+s5], $0x20, s25, s5, $0xb8;
	[tilespmem:$0x16800] =	vst v63  }
0x2de: {  	_ = 	snop  }
0x2df: {  	[tilespmem:s30], [sflag:$0x2] =	stream.indirect.gather [hbm4b:s3+s5], $0x20, s28, s5, $0xb8;
	[tilespmem:$0x16800] =	vst v63  }
0x2e0: {  	_ =	swait.ge [sflag:s26], $0xA000  }
0x2e1: {  	[sflag:s26] =	ssyncset.done $0x0  }
0x2e2: {  	s29 =	rddreg [dreg:$0xa];
	[sflag:s26] =	ssyncadd.s32 $0xFFFF6000  }
0x2e3: {  	[hbm4b:s29+s2] =	stream.linear.scatter [tilespmem:s4], [sflag:$0x3], $0xA000, $0x38;
	[tilespmem:$0x16800] =	vst v63  }
0x2e4: {  	_ =	swait.ge [sflag:s22], $0xA000  }
0x2e5: {  	[sflag:s22] =	ssyncset.done $0x0  }
0x2e6: {  	s30 =	rddreg [dreg:$0xb];
	[sflag:s22] =	ssyncadd.s32 $0xFFFF6000  }
0x2e7: {  	[hbm4b:s30+s2] =	stream.linear.scatter [tilespmem:s7], [sflag:$0x4], $0xA000, $0x38;
	[tilespmem:$0x16800] =	vst v63  }
0x2e8: {  	_ =	swait.ge [sflag:s16], $0xA000  }
0x2e9: {  	[sflag:s16] =	ssyncset.done $0x0  }
0x2ea: {  	[sflag:s16] =	ssyncadd.s32 $0xFFFF6000  }
0x2eb: {  	_ =	swait.ge [sflag:s13], $0xA000  }
0x2ec: {  	[sflag:s13] =	ssyncset.done $0x0  }
0x2ed: {  	[sflag:s13] =	ssyncadd.s32 $0xFFFF6000  }
0x2ee: {  	_ =	sfence.sel $0x180000  }
0x2ef: {  	[bflag:$0x0] =	sbarrier.arrive $0xFFFF  }
0x2f0: {  	_ =	strace $0x90000047  }
0x2f1: {  	s31 =	stileid.u32;
	[bflag:$0x2] =	sbarrier.arrive $0xFFFF  }
0x2f2: {  	p0 =	sne.s32 s31, $0x0;
	s0 =	rddreg [dreg:$0x3]  }
0x2f3: {  	s0 =	sadd.s32 @!p0 $0x100000, s0  }
0x2f4: {  	[sflag:s0] =	ssyncadd.tile.s32 @!p0 $0x1;
	_ =	shalt  }
.LBB2_2:
.Ltmp3:
0x2f5: {  	(pc) =	sbr.rel .LBB2_5-.Ltmp3, $2  }
0x2f6: {  	_ =	sdelay $0x2  }
0x2f7: {  	s6 =	sld [smem:$0x7C3];
	s31 =	simm.s32 $0x5  }
.Lfunc_end2:
_tile_overlayer_lowered:
.L_overlay_start_2:
0x2f8: {  	(tag) =	ssettag $0x2  }
0x2f9: {  	s0 =	rddreg [dreg:$0x0];
	s2 =	stileid.u32  }
0x2fa: {  	s1 =	rddreg [dreg:$0x1];
	p0 =	sne.s32 s2, $0x0  }
0x2fb: {  	s3 =	rddreg [dreg:$0x2];
	[bflag:$0x3] =	sbarrier.arrive $0xFFFF;
	s2 =	simm.s32 @!p0 $0x1C05  }
0x2fc: {  	[timem:s3], [sflag:s2] =	dma.local @!p0 [hbm:s0], s1  }
0x2fd: {  	s0 =	simm.s32 @!p0 $0x5  }
0x2fe: {  	_ =	swait.ge @!p0 [sflag:s0], s1  }
0x2ff: {  	s1 =	ssub.s32 @!p0 $0x0, s1;
	[sflag:s0] =	ssyncset.done @!p0 $0x0  }
0x300: {  	[sflag:s0] =	ssyncadd.s32 @!p0 s1  }
0x301: {  	[bflag:$0x3] =	sbarrier.arrive $0xFFFF  }
0x302: {  	_ =	shalt  }

// kernel: sparse-core-data-format-call.cloned.1.call-start
scs
called_computation_lowered:
.L_overlay_start_0:
0x0: {  	s2 =	sld [smem:$0x3FD9]  }
0x1: {  	s3 =	sld [smem:$0x3FFE];
	_ =	sdelay $0x1  }
0x2: {  	s1 =	srdreg.scid  }
0x3: {  	s0 =	sand.u32 $0x1, s1  }
0x4: {  	s18 =	sshll.u32 s0, $0xA;
	s2 =	sadd.s32 s3, s2  }
0x5: {  	s2 =	sadd.s32 s2, s18  }
0x6: {  	[smem:$0x3FC6] =	sst s2  }
0x7: {  	_ = 	snop  }
0x8: {  	s2 =	sld [smem:$0x3FD0];
	(tm) =	ssettm $0x1  }
0x9: {  	s19 =	sld [smem:$0x3FFB];
	_ =	sdelay $0x3  }
0xa: {  	_ =	strace s19  }
0xb: {  	s3 =	sld [smem:$0x3FFC];
	_ =	sdelay $0x3  }
0xc: {  	_ =	strace s3  }
0xd: {  	s3 =	sld [smem:$0x3FFD];
	_ =	sdelay $0x3  }
0xe: {  	_ =	strace s3  }
0xf: {  	_ =	strace $0x8FFFFFFF  }
0x10: {  	s20 =	sld [smem:$0x3FDB];
	_ =	sdelay $0x1  }
0x11: {  	s4 =	simm.s32 $_scs_section_size  }
0x12: {  	s5 =	simm.s32 $_size__tile_overlayer_lowered;
	s6 =	simm.s32 $_tile_overlayer_lowered  }
0x13: {  	s23 =	simm.s32 $0x1BFF;
	s22 =	sshll.u32 s6, $0x1;
	s3 =	sadd.s32 s4, s20  }
0x14: {  	s7 =	simm.s32 $0x0;
	s21 =	sshll.u32 s5, $0x1;
	s5 =	sadd.s32 s22, s3  }
0x15: {  	[timem:s7], [sflag:s23] =	dma.local [hbm:s5], s21  }
0x16: {  	_ =	swait.ge [sflag:s23], s21  }
0x17: {  	s4 =	ssub.s32 $0x0, s21;
	[sflag:s23] =	ssyncset.done $0x0  }
0x18: {  	[sflag:s23] =	ssyncadd.s32 s4;
	_ =	sdelay $0x1  }
0x19: {  	s24 =	simm.s32 $0x1B8B  }
0x1a: {  	_ =	swait.ge [sflag:s24], $0x1  }
0x1b: {  	[sflag:s24] =	ssyncset.done $0x0  }
0x1c: {  	s26 =	simm.s32 $0x1B8E;
	s25 =	sld [smem:$0x3FFE];
	[sflag:s24] =	ssyncadd.s32 $0xFFFFFFFF  }
0x1d: {  	s27 =	simm.s32 $execute0_lowered;
	[smem:$0x3FD2] =	sst s26  }
0x1e: {  	s5 =	sshll.u32 s27, $0x1;
	_ =	strace $0x80000049;
	[dreg:$0x1] =	wrdreg $0xFFFFFFFF  }
0x1f: {  	s28 =	simm.s32 $_size_execute0_lowered;
	s3 =	sadd.s32 s3, s5;
	[dreg:$0x0] =	wrdreg $0x0  }
0x20: {  	s5 =	sshll.u32 s28, $0x1;
	[dreg:$0x2] =	wrdreg s3  }
0x21: {  	[dreg:$0x3] =	wrdreg s5  }
0x22: {  	[dreg:$0x4] =	wrdreg $0xC0  }
0x23: {  	_ =	task [dreg:s7], $0x5FFFF  }
0x24: {  	[dreg:$0x1] =	wrdreg $0xFFFFFFFF  }
0x25: {  	[dreg:$0x0] =	wrdreg $0x60  }
0x26: {  	[dreg:$0x2] =	wrdreg s25  }
0x27: {  	[dreg:$0x3] =	wrdreg s2  }
0x28: {  	[dreg:$0x4] =	wrdreg $0x9  }
0x29: {  	_ =	task.clear_ibuf [dreg:s7], $0x5FFFF;
	_ =	strace $0x90000049  }
0x2a: {  	s29 =	simm.s32 $0x9;
	_ =	strace $0x8000004B  }
0x2b: {  	_ =	swait.ge [sflag:s29], $0x1  }
0x2c: {  	[sflag:s29] =	ssyncadd.s32 $0xFFFFFFFF  }
0x2d: {  	_ =	strace $0x9000004B  }
0x2e: {  	_ =	sfence  }
0x2f: {  	s30 =	sld [smem:$0x0];
	_ =	sdelay $0x2  }
0x30: {  	s31 =	sshll.u32 s1, $0xD;
	s1 =	sshrl.u32 s1, $0x2  }
0x31: {  	s3 =	sand.u32 $0x4000, s31;
	s1 =	sadd.s32 s1, s30  }
0x32: {  	s0 =	sor.u32 s3, s0;
	s1 =	sshll.u32 s1, $0x11  }
0x33: {  	s0 =	sor.u32 s1, s0  }
0x34: {  	s0 =	sadd.s32 $0x8F2B, s0  }
0x35: {  	[sflag:s0] =	ssyncadd.remote.s32 $0x1  }
0x36: {  	_ =	sfence.sel $0xFFFF  }
0x37: {  	[dreg:$0x0] =	wrdreg $0xFFFFFFFF;
	(pc) =	sbr.abs _section_cstart, $3  }
0x38: {  	[dreg:$0x1] =	wrdreg $0xFFFFFFFF  }
0x39: {  	_ =	task.clear_ibuf [dreg:s7], $0x2FFFF;
	_ =	strace $0x9FFFFFFF  }
0x3a: {  	(tm) =	ssettm $0x7FFFFFFF  }
0x3b: {  	_ =	shalt  }
tec
execute0_lowered:
.L_overlay_start_1:
0x0: {  	(tag) =	ssettag $0x1  }
0x1: {  	s0 =	srdreg.scid  }
0x2: {  	s1 =	sshll.u32 s0, $0x4  }
0x3: {  	s4 =	rddreg [dreg:$0x0];
	s0 =	stileid.u32;
	s1 =	sand.u32 $0x10, s1  }
0x4: {  	s2 =	rddreg [dreg:$0x1];
	s7 =	simm.s32 $0x1;
	s1 =	sor.u32 s0, s1  }
0x5: {  	s8 =	simm.s32 $0x2;
	s11 =	simm.s32 $0x0;
	s3 =	sshll.u32 s1, $0x7  }
0x6: {  	s10 =	simm.s32 $0x0;
	s4 =	sadd.s32 $0x800, s4;
	s6 =	ssub.s32 $0x50000, s3  }
.Ltmp0:
0x7: {  	s1 =	rddreg [dreg:$0x2];
	s5 =	sand.u32 $0xF80, s6;
	(pc) =	sbr.rel .LBB1_1-.Ltmp0, $4  }
0x8: {  	_ =	strace $0x8000004A;
	s9 =	smov.u32 s3;
	p0 =	sne.s32 s5, $0x0  }
0x9: {  	s6 =	sshrl.u32 s6, $0xC;
	s5 =	simm.s32 $0x1;
	s7 =	simm.s32 @!p0 $0x0  }
0xa: {  	[sflag:s5] =	ssyncpa.u1 $0x0;
	p0 =	por $0x0, $0x0;
	s6 =	sadd.s32 s7, s6  }
0xb: {  	[sflag:s8] =	ssyncpa.u1 $0x0;
	s8 =	simm.s32 $0x280000;
	s7 =	sadd.s32 $0x1, s6  }
.LBB1_4:
0xc: {  	s14 =	sshll.u32 s11, $0x3  }
0xd: {  	s30 =	sand.u32 $0x7F, s11;
	s15 =	sand.u32 $0xFFFFFC00, s14  }
0xe: {  	s11 =	sor.u32 s30, s15  }
0xf: {  	s15 =	smulhi.u32 $0xCCCCCCCD, s11  }
0x10: {  	s14 =	smulhi.u32 $0xCCCCCCCD, s14  }
0x11: {  	s15 =	sshrl.u32 s15, $0x12  }
0x12: {  	s14 =	sshrl.u32 s14, $0x12;
	s15 =	smul.u32 $0x50000, s15  }
0x13: {  	s14 =	sand.u32 $0x1F, s14  }
0x14: {  	s14 =	smul.u32 $0xA000, s14;
	s11 =	ssub.s32 s11, s15  }
0x15: {  	s15 =	sand.u32 $0x7, s11  }
0x16: {  	s14 =	sadd.s32 s2, s14;
	s11 =	sshrl.u32 s11, $0x3;
	s15 =	sshll.u32 s15, $0x12  }
0x17: {  	[tilespmem:s13+$0x0 ss:$0x81] =	vst.msk $0xffff, v0;
	s11 =	sadd.s32 s11, s14;
	s31 =	sor.u32 $0x400, s15  }
0x18: {  	[hbm4b:s11+s31] =	stream.strided.scatter [tilespmem:s12], [sflag:$0x2], $0x1000, s8, s31, $0x20;
	[tilespmem:$0x4040] =	vst v63  }
.LBB1_5:
0x19: {  	s13 =	sadd.s32 $0x1000, s9  }
0x1a: {  	p2 =	sgt.s32 s13, $0x4FFFF  }
0x1b: {  	s13 =	smov.u32 @p2 s3;
	p2 =	sne.s32 s10, s7  }
.Ltmp1:
0x1c: {  	p1 =	slt.u32 s10, $0x2;
	(pc) =	sbr.rel @!p2 .LBB1_6-.Ltmp1, $4  }
0x1d: {  	s12 =	simm.s32 @!p1 $0x2  }
0x1e: {  	s14 =	sadd.s32 $0x1, s10;
	_ =	swait.ge @!p1 [sflag:s12], $0x1000  }
0x1f: {  	s11 =	smov.u32 s9;
	p0 =	por !p0, !p0;
	[sflag:s12] =	ssyncset.done @!p1 $0x0  }
0x20: {  	s10 =	smov.u32 s14;
	s9 =	smov.u32 s13;
	[sflag:s12] =	ssyncadd.s32 @!p1 $0xFFFFF000  }
.LBB1_1:
0x21: {  	p1 =	sge.u32 s10, s6  }
0x22: {  	s12 =	sand.u32 @!p1 $0x1FFFFFF, s9  }
0x23: {  	s13 =	smulhi.u32 @!p1 $0xCCCCCD, s12;
	_ =	sdelay $0x1  }
0x24: {  	s13 =	sshrl.u32 @!p1 s13, $0xA  }
0x25: {  	s13 =	smul.u32 @!p1 $0x50000, s13;
	_ =	sdelay $0x1  }
0x26: {  	s31 =	sadd.s32 $0xFFFFFFFF, s10;
	s14 =	sxor.u32 @!p1 $0xFFFFFFFF, s10;
	s12 =	ssub.s32 @!p1 s12, s13  }
0x27: {  	s15 =	simm.s32 @!p1 $0x80;
	s14 =	sshll.u32 @!p1 s14, $0xC;
	s12 =	sshll.u32 @!p1 s12, $0x4  }
0x28: {  	s13 =	sand.u32 @!p1 $0x1000, s14;
	s14 =	simm.s32 @!p1 $0x20;
	s12 =	sadd.s32 @!p1 s4, s12  }
0x29: {  	[tilespmem:s13], [sflag:$0x1] =	stream.strided.gather @!p1 [hbm4b:s12+s14], $0x1000, s15, s14, $0x38;
	[tilespmem:$0x4040] =	vst v63  }
0x2a: {  	p1 =	sge.u32 s31, s6  }
.Ltmp2:
0x2b: {  	_ = 	snop;
	(pc) =	sbr.rel @p1 .LBB1_5-.Ltmp2, $1  }
0x2c: {  	_ =	sdelay $0x3  }
0x2d: {  	s12 =	simm.s32 $0x1  }
0x2e: {  	_ =	swait.ge [sflag:s5], $0x1000;
	s12 =	simm.s32 @!p0 $0x0  }
0x2f: {  	[sflag:s5] =	ssyncset.done $0x0;
	s13 =	sshll.u32 s12, $0xC  }
0x30: {  	[sflag:s5] =	ssyncadd.s32 $0xFFFFF000;
	s16 =	sor.u32 $0x10, s13  }
0x31: {  	s12 =	smul.u32 $0x4080, s12;
	v1 =	vld [tilespmem:s16+$0x0]  }
0x32: {  	s30 =	sand.u32 $0x1, s10;
	v0 =	vld [tilespmem:s16+$0xFFFFFFF0]  }
0x33: {  	s13 =	smul.u32 $0x4080, s30;
	s12 =	sshrl.u32 s12, $0x2  }
0x34: {  	s14 =	sor.u32 $0x2000, s12  }
0x35: {  	s31 =	sshrl.u32 s13, $0x2;
	s13 =	sadd.s32 $0x0, s14  }
0x36: {  	s15 =	simm.s32 $0x4;
	s16 =	sadd.s32 $0x20, s16;
	s12 =	sor.u32 $0x2000, s31;
	[tilespmem:s13+$0x810 ss:$0x81] =	vst.msk $0xffff, v1  }
.LBB1_3:
0x37: {  	v1 =	vld [tilespmem:s16+$0x0];
	p1 =	sne.s32 s15, $0x1FC;
	[tilespmem:s13+$0x0 ss:$0x81] =	vst.msk $0xffff, v0;
	s13 =	smov.u32 s15;
	s15 =	sadd.s32 $0x4, s15  }
.Ltmp3:
0x38: {  	v0 =	vld [tilespmem:s16+$0xFFFFFFF0];
	(pc) =	sbr.rel @p1 .LBB1_3-.Ltmp3, $4  }
0x39: {  	_ = 	snop  }
0x3a: {  	s13 =	sshra.s32 s13, $0x2  }
0x3b: {  	s13 =	sadd.s32 s13, s14  }
0x3c: {  	s16 =	sadd.s32 $0x20, s16;
	[tilespmem:s13+$0x810 ss:$0x81] =	vst.msk $0xffff, v1  }
.Ltmp4:
0x3d: {  	_ = 	snop;
	(pc) =	sbr.rel .LBB1_4-.Ltmp4, $1  }
0x3e: {  	_ =	sdelay $0x3  }
.LBB1_6:
0x3f: {  	_ =	sfence.sel $0x180000  }
0x40: {  	s2 =	simm.s32 $0x1;
	[bflag:$0x0] =	sbarrier.arrive $0xFFFF  }
0x41: {  	s31 =	simm.s32 $0x2;
	[sflag:s2] =	ssyncpa.u1 $0x1  }
0x42: {  	[sflag:s31] =	ssyncpa.u1 $0x1  }
0x43: {  	p0 =	sne.s32 s0, $0x0;
	_ =	strace $0x9000004A  }
0x44: {  	s0 =	sadd.s32 @!p0 $0x100000, s1;
	[bflag:$0x2] =	sbarrier.arrive $0xFFFF  }
0x45: {  	[sflag:s0] =	ssyncadd.tile.s32 @!p0 $0x1;
	_ =	shalt  }
.Lfunc_end1:
_tile_overlayer_lowered:
.L_overlay_start_2:
0x46: {  	(tag) =	ssettag $0x2  }
0x47: {  	s0 =	rddreg [dreg:$0x0];
	s2 =	stileid.u32  }
0x48: {  	s1 =	rddreg [dreg:$0x1];
	p0 =	sne.s32 s2, $0x0  }
0x49: {  	s3 =	rddreg [dreg:$0x2];
	[bflag:$0x3] =	sbarrier.arrive $0xFFFF;
	s2 =	simm.s32 @!p0 $0x1C01  }
0x4a: {  	[timem:s3], [sflag:s2] =	dma.local @!p0 [hbm:s0], s1  }
0x4b: {  	s0 =	simm.s32 @!p0 $0x1  }
0x4c: {  	_ =	swait.ge @!p0 [sflag:s0], s1  }
0x4d: {  	s1 =	ssub.s32 @!p0 $0x0, s1;
	[sflag:s0] =	ssyncset.done @!p0 $0x0  }
0x4e: {  	[sflag:s0] =	ssyncadd.s32 @!p0 s1  }
0x4f: {  	[bflag:$0x3] =	sbarrier.arrive $0xFFFF  }
0x50: {  	_ =	shalt  }

</sc_bundles>
